<compile_context>
chip_gen: v7x
topology: tpu7x:2x2x1
jax: 0.10.2.dev20260603
libtpu: 0.0.44.dev20260713+nightly
codegen_flags: <defaults>
</compile_context>

<pallas_src>
import jax
import jax.numpy as jnp
from jax import lax
from jax.experimental import pallas as pl
from jax.experimental.pallas import tpu as pltpu
from jax.experimental.pallas import tpu_sc as plsc

VOCAB = 49408
HIDDEN = 768
SEQ = 77
BATCH = 1024
LANES = 16
NVEC = HIDDEN // LANES

NUM_CORES = 2
NUM_SUBCORES = 16
NUM_WORKERS = NUM_CORES * NUM_SUBCORES
BATCHES_PER_WORKER = BATCH // NUM_WORKERS

FULL_ROWS = 72
CHUNK_A = 40
CHUNK_B = 32
TAIL = 8
BATCH_BLOCK = 8


def _embed_body(ids_hbm, tids_hbm, tok_hbm, pos_hbm, out_hbm, tail_hbm,
                pos_v, idx_v, tidx_v, buf_a, buf_b, buf_t,
                gsem_a, gsem_b, gsem_t, ssem_a, ssem_b, ssem_t):
    cid = lax.axis_index("c")
    sid = lax.axis_index("s")
    wid = sid * NUM_CORES + cid
    base_b = wid * BATCHES_PER_WORKER

    pltpu.sync_copy(pos_hbm.at[pl.ds(0, FULL_ROWS)], pos_v)

    def add_pos(buf, nrows, pos_off):
        def row_body(r, carry):
            for c in range(NVEC):
                sl = pl.ds(c * LANES, LANES)
                x = pos_v[pos_off + r, sl]
                plsc.addupdate(buf.at[r, sl], x)
            return carry
        lax.fori_loop(0, nrows, row_body, 0)

    def drain_stores(gb):
        pltpu.make_async_copy(buf_a, out_hbm.at[gb, pl.ds(0, CHUNK_A)],
                              ssem_a).wait()
        pltpu.make_async_copy(buf_b, out_hbm.at[gb, pl.ds(CHUNK_A, CHUNK_B)],
                              ssem_b).wait()
        pltpu.make_async_copy(buf_t, tail_hbm.at[gb], ssem_t).wait()

    def batch_body(i, carry):
        gb = base_b + i
        pltpu.sync_copy(ids_hbm.at[gb], idx_v)
        pltpu.sync_copy(tids_hbm.at[gb], tidx_v)

        @pl.when(i > 0)
        def _():
            drain_stores(gb)

        ga = pltpu.async_copy(tok_hbm.at[idx_v.at[pl.ds(0, CHUNK_A)]],
                              buf_a, gsem_a)
        gb_ = pltpu.async_copy(tok_hbm.at[idx_v.at[pl.ds(CHUNK_A, CHUNK_B)]],
                               buf_b, gsem_b)
        gt = pltpu.async_copy(tok_hbm.at[tidx_v], buf_t, gsem_t)

        ga.wait()
        add_pos(buf_a, CHUNK_A, 0)
        pltpu.async_copy(buf_a, out_hbm.at[gb, pl.ds(0, CHUNK_A)], ssem_a)
        gb_.wait()
        add_pos(buf_b, CHUNK_B, CHUNK_A)
        pltpu.async_copy(buf_b, out_hbm.at[gb, pl.ds(CHUNK_A, CHUNK_B)], ssem_b)
        gt.wait()
        pltpu.async_copy(buf_t, tail_hbm.at[gb], ssem_t)
        return carry

    lax.fori_loop(0, BATCHES_PER_WORKER, batch_body, 0)
    drain_stores(base_b + BATCHES_PER_WORKER - 1)


def _tail_body(x_ref, tail_ref, pos_ref, o_ref):
    o_ref[...] = tail_ref[...] + pos_ref[...][None, :, :]


def _tail_fix(out_sc, tail_tok, position_table):
    return pl.pallas_call(
        _tail_body,
        out_shape=jax.ShapeDtypeStruct((BATCH, SEQ, HIDDEN), jnp.float32),
        grid=(BATCH // BATCH_BLOCK,),
        in_specs=[
            pl.BlockSpec((1, TAIL, HIDDEN), lambda b: (b, 9, 0)),
            pl.BlockSpec((BATCH_BLOCK, TAIL, HIDDEN), lambda b: (b, 0, 0)),
            pl.BlockSpec((TAIL, HIDDEN), lambda b: (9, 0)),
        ],
        out_specs=pl.BlockSpec((BATCH_BLOCK, TAIL, HIDDEN), lambda b: (b, 9, 0)),
        input_output_aliases={0: 0},
    )(out_sc, tail_tok, position_table)


@jax.jit
def _embed(ids, token_table, position_table):
    tail_ids = jnp.pad(ids[:, FULL_ROWS:], ((0, 0), (0, TAIL - (SEQ - FULL_ROWS))))
    mesh = plsc.VectorSubcoreMesh(
        core_axis_name="c", subcore_axis_name="s",
        num_cores=NUM_CORES, num_subcores=NUM_SUBCORES,
    )
    f = pl.kernel(
        _embed_body,
        out_type=(
            jax.ShapeDtypeStruct((BATCH, SEQ, HIDDEN), jnp.float32),
            jax.ShapeDtypeStruct((BATCH, TAIL, HIDDEN), jnp.float32),
        ),
        mesh=mesh,
        scratch_types=[
            pltpu.VMEM((FULL_ROWS, HIDDEN), jnp.float32),
            pltpu.VMEM((SEQ,), jnp.int32),
            pltpu.VMEM((TAIL,), jnp.int32),
            pltpu.VMEM((CHUNK_A, HIDDEN), jnp.float32),
            pltpu.VMEM((CHUNK_B, HIDDEN), jnp.float32),
            pltpu.VMEM((TAIL, HIDDEN), jnp.float32),
            pltpu.SemaphoreType.DMA,
            pltpu.SemaphoreType.DMA,
            pltpu.SemaphoreType.DMA,
            pltpu.SemaphoreType.DMA,
            pltpu.SemaphoreType.DMA,
            pltpu.SemaphoreType.DMA,
        ],
    )
    out_sc, tail_tok = f(ids, tail_ids, token_table, position_table)
    return _tail_fix(out_sc, tail_tok, position_table)


def kernel(input_ids, token_table, position_table):
    ids = input_ids.astype(jnp.int32)
    return _embed(ids, token_table, position_table)

# --- scband reference (transcript-rebuilt; emitter-appended) ---
"""Pipeline reference for scband-cliptext-embeddings-58643483460015 (READ-ONLY COPY).

The authoritative reference and input builder live on the scoring server;
editing this copy changes nothing except your own understanding.
"""

import jax, jax.numpy as jnp
import numpy as np

VOCAB = 49408
HIDDEN = 768
MAX_POS = 77
BATCH = 1024
SEQ = 77

def setup_inputs(seed: int = 0) -> dict:
    key = jax.random.key(seed)
    k1, k2, k3 = jax.random.split(key, 3)
    input_ids = jax.random.randint(k1, (BATCH, SEQ), 0, VOCAB)
    token_table = jax.random.normal(k2, (VOCAB, HIDDEN), dtype=jnp.float32) * 0.02
    position_table = jax.random.normal(k3, (MAX_POS, HIDDEN), dtype=jnp.float32) * 0.02
    return {"input_ids": input_ids, "token_table": token_table, "position_table": position_table}

def reference(input_ids, token_table, position_table):
    seq_len = input_ids.shape[1]
    tok = jnp.take(token_table, input_ids, axis=0)
    pos = position_table[:seq_len][None, :, :]
    return tok + pos

if __name__ == "__main__":
    import jax
    _d = setup_inputs()
    print(jax.jit(kernel)(*tuple(_d.values())))

</pallas_src>

<mosaic_0001>
#map = affine_map<(d0, d1) -> (0, 0)>
#map1 = affine_map<(d0, d1) -> (0, 0, 0)>
module attributes {stable_mosaic.version = 14 : i64} {
  func.func @_embed_body(%arg0: i32, %arg1: i32, %arg2: memref<1024x77xi32, #tpu.memory_space<hbm>>, %arg3: memref<1024x8xi32, #tpu.memory_space<hbm>>, %arg4: memref<49408x768xf32, #tpu.memory_space<hbm>>, %arg5: memref<77x768xf32, #tpu.memory_space<hbm>>, %arg6: memref<1024x77x768xf32, #tpu.memory_space<hbm>>, %arg7: memref<1024x8x768xf32, #tpu.memory_space<hbm>>, %arg8: memref<72x768xf32, #tpu.memory_space<vmem>>, %arg9: memref<77xi32, #tpu.memory_space<vmem>>, %arg10: memref<8xi32, #tpu.memory_space<vmem>>, %arg11: memref<40x768xf32, #tpu.memory_space<vmem>>, %arg12: memref<32x768xf32, #tpu.memory_space<vmem>>, %arg13: memref<8x768xf32, #tpu.memory_space<vmem>>, %arg14: memref<!tpu.dma_semaphore, #tpu.memory_space<semaphore_mem>>, %arg15: memref<!tpu.dma_semaphore, #tpu.memory_space<semaphore_mem>>, %arg16: memref<!tpu.dma_semaphore, #tpu.memory_space<semaphore_mem>>, %arg17: memref<!tpu.dma_semaphore, #tpu.memory_space<semaphore_mem>>, %arg18: memref<!tpu.dma_semaphore, #tpu.memory_space<semaphore_mem>>, %arg19: memref<!tpu.dma_semaphore, #tpu.memory_space<semaphore_mem>>) attributes {dimension_semantics = [#tpu.dimension_semantics<core_parallel>, #tpu.dimension_semantics<subcore_parallel>], iteration_bounds = array<i64: 2, 16>, scalar_prefetch = 0 : i64, scratch_operands = 12 : i64, tpu.core_type = #tpu.core_type<sc_vector_subcore>, window_params = [{transform_indices = #map}, {transform_indices = #map}, {transform_indices = #map}, {transform_indices = #map}, {transform_indices = #map1}, {transform_indices = #map1}]} {
    %mul3A = arith.constant 2 : i32
    %mul3A_0 = arith.muli %arg1, %mul3A : i32
    %add3A = arith.addi %mul3A_0, %arg0 : i32
    %mul3A_1 = arith.constant 32 : i32
    %mul3A_2 = arith.muli %add3A, %mul3A_1 : i32
    "tpu.region"() ({
      %run_scoped3A = tpu.sem_alloc : memref<!tpu.dma_semaphore, #tpu.memory_space<semaphore_mem>>
      %dma_start3A = arith.constant 0 : i32
      %dma_start3A_34 = arith.constant 0 : i32
      %dma_start3A_35 = tpu.memref_slice %arg5[%dma_start3A, %dma_start3A_34] : memref<77x768xf32, #tpu.memory_space<hbm>> -> memref<72x768xf32, #tpu.memory_space<hbm>>
      %dma_start3A_36 = arith.constant 0 : i32
      %dma_start3A_37 = arith.constant 0 : i32
      %dma_start3A_38 = tpu.memref_slice %arg5[%dma_start3A_36, %dma_start3A_37] : memref<77x768xf32, #tpu.memory_space<hbm>> -> memref<72x768xf32, #tpu.memory_space<hbm>>
      tpu.enqueue_dma source(%dma_start3A_38 : memref<72x768xf32, #tpu.memory_space<hbm>>) target(%arg8 : memref<72x768xf32, #tpu.memory_space<vmem>>) target_semaphore(%run_scoped3A : memref<!tpu.dma_semaphore, #tpu.memory_space<semaphore_mem>>)
      %dma_wait3A_39 = arith.constant 0 : i32
      %dma_wait3A_40 = arith.constant 0 : i32
      %dma_wait3A_41 = tpu.memref_slice %arg5[%dma_wait3A_39, %dma_wait3A_40] : memref<77x768xf32, #tpu.memory_space<hbm>> -> memref<72x768xf32, #tpu.memory_space<hbm>>
      %dma_wait3A_42 = arith.constant 0 : i32
      %dma_wait3A_43 = arith.constant 0 : i32
      %dma_wait3A_44 = tpu.memref_slice %arg5[%dma_wait3A_42, %dma_wait3A_43] : memref<77x768xf32, #tpu.memory_space<hbm>> -> memref<72x768xf32, #tpu.memory_space<hbm>>
      tpu.wait_dma2 semaphore(%run_scoped3A : memref<!tpu.dma_semaphore, #tpu.memory_space<semaphore_mem>>) src(%dma_wait3A_44 : memref<72x768xf32, #tpu.memory_space<hbm>>) dst(%arg8 : memref<72x768xf32, #tpu.memory_space<vmem>>)
      tpu.yield
    }) : () -> ()
    %scan3A = arith.constant 0 : i32
    %scan3A_3 = arith.constant 0 : i32
    %scan3A_4 = arith.constant 32 : i32
    %scan3A_5 = arith.addi %scan3A_3, %scan3A_4 : i32
    %scan3A_6 = arith.constant 1 : i32
    scf.for %scan3A_34 = %scan3A_3 to %scan3A_5 step %scan3A_6  : i32 {
      %add3A_35 = arith.addi %mul3A_2, %scan3A_34 : i32
      "tpu.region"() ({
        %run_scoped3A = tpu.sem_alloc : memref<!tpu.dma_semaphore, #tpu.memory_space<semaphore_mem>>
        %dma_start3A_99 = arith.constant 0 : i32
        %dma_start3A_100 = tpu.memref_slice %arg2[%add3A_35, %dma_start3A_99] : memref<1024x77xi32, #tpu.memory_space<hbm>> -> memref<1x77xi32, #tpu.memory_space<hbm>>
        %dma_start3A_101 = tpu.memref_squeeze %dma_start3A_100 : memref<1x77xi32, #tpu.memory_space<hbm>> -> memref<77xi32, #tpu.memory_space<hbm>>
        %dma_start3A_102 = arith.constant 0 : i32
        %dma_start3A_103 = tpu.memref_slice %arg2[%add3A_35, %dma_start3A_102] : memref<1024x77xi32, #tpu.memory_space<hbm>> -> memref<1x77xi32, #tpu.memory_space<hbm>>
        %dma_start3A_104 = tpu.memref_squeeze %dma_start3A_103 : memref<1x77xi32, #tpu.memory_space<hbm>> -> memref<77xi32, #tpu.memory_space<hbm>>
        tpu.enqueue_dma source(%dma_start3A_104 : memref<77xi32, #tpu.memory_space<hbm>>) target(%arg9 : memref<77xi32, #tpu.memory_space<vmem>>) target_semaphore(%run_scoped3A : memref<!tpu.dma_semaphore, #tpu.memory_space<semaphore_mem>>)
        %dma_wait3A_105 = arith.constant 0 : i32
        %dma_wait3A_106 = tpu.memref_slice %arg2[%add3A_35, %dma_wait3A_105] : memref<1024x77xi32, #tpu.memory_space<hbm>> -> memref<1x77xi32, #tpu.memory_space<hbm>>
        %dma_wait3A_107 = tpu.memref_squeeze %dma_wait3A_106 : memref<1x77xi32, #tpu.memory_space<hbm>> -> memref<77xi32, #tpu.memory_space<hbm>>
        %dma_wait3A_108 = arith.constant 0 : i32
        %dma_wait3A_109 = tpu.memref_slice %arg2[%add3A_35, %dma_wait3A_108] : memref<1024x77xi32, #tpu.memory_space<hbm>> -> memref<1x77xi32, #tpu.memory_space<hbm>>
        %dma_wait3A_110 = tpu.memref_squeeze %dma_wait3A_109 : memref<1x77xi32, #tpu.memory_space<hbm>> -> memref<77xi32, #tpu.memory_space<hbm>>
        tpu.wait_dma2 semaphore(%run_scoped3A : memref<!tpu.dma_semaphore, #tpu.memory_space<semaphore_mem>>) src(%dma_wait3A_110 : memref<77xi32, #tpu.memory_space<hbm>>) dst(%arg9 : memref<77xi32, #tpu.memory_space<vmem>>)
        tpu.yield
      }) : () -> ()
      "tpu.region"() ({
        %run_scoped3A = tpu.sem_alloc : memref<!tpu.dma_semaphore, #tpu.memory_space<semaphore_mem>>
        %dma_start3A_99 = arith.constant 0 : i32
        %dma_start3A_100 = tpu.memref_slice %arg3[%add3A_35, %dma_start3A_99] : memref<1024x8xi32, #tpu.memory_space<hbm>> -> memref<1x8xi32, #tpu.memory_space<hbm>>
        %dma_start3A_101 = tpu.memref_squeeze %dma_start3A_100 : memref<1x8xi32, #tpu.memory_space<hbm>> -> memref<8xi32, #tpu.memory_space<hbm>>
        %dma_start3A_102 = arith.constant 0 : i32
        %dma_start3A_103 = tpu.memref_slice %arg3[%add3A_35, %dma_start3A_102] : memref<1024x8xi32, #tpu.memory_space<hbm>> -> memref<1x8xi32, #tpu.memory_space<hbm>>
        %dma_start3A_104 = tpu.memref_squeeze %dma_start3A_103 : memref<1x8xi32, #tpu.memory_space<hbm>> -> memref<8xi32, #tpu.memory_space<hbm>>
        tpu.enqueue_dma source(%dma_start3A_104 : memref<8xi32, #tpu.memory_space<hbm>>) target(%arg10 : memref<8xi32, #tpu.memory_space<vmem>>) target_semaphore(%run_scoped3A : memref<!tpu.dma_semaphore, #tpu.memory_space<semaphore_mem>>)
        %dma_wait3A_105 = arith.constant 0 : i32
        %dma_wait3A_106 = tpu.memref_slice %arg3[%add3A_35, %dma_wait3A_105] : memref<1024x8xi32, #tpu.memory_space<hbm>> -> memref<1x8xi32, #tpu.memory_space<hbm>>
        %dma_wait3A_107 = tpu.memref_squeeze %dma_wait3A_106 : memref<1x8xi32, #tpu.memory_space<hbm>> -> memref<8xi32, #tpu.memory_space<hbm>>
        %dma_wait3A_108 = arith.constant 0 : i32
        %dma_wait3A_109 = tpu.memref_slice %arg3[%add3A_35, %dma_wait3A_108] : memref<1024x8xi32, #tpu.memory_space<hbm>> -> memref<1x8xi32, #tpu.memory_space<hbm>>
        %dma_wait3A_110 = tpu.memref_squeeze %dma_wait3A_109 : memref<1x8xi32, #tpu.memory_space<hbm>> -> memref<8xi32, #tpu.memory_space<hbm>>
        tpu.wait_dma2 semaphore(%run_scoped3A : memref<!tpu.dma_semaphore, #tpu.memory_space<semaphore_mem>>) src(%dma_wait3A_110 : memref<8xi32, #tpu.memory_space<hbm>>) dst(%arg10 : memref<8xi32, #tpu.memory_space<vmem>>)
        tpu.yield
      }) : () -> ()
      %gt3A = arith.constant 0 : i32
      %gt3A_36 = arith.cmpi sgt, %scan3A_34, %gt3A : i32
      %convert_element_type3A = arith.extui %gt3A_36 : i1 to i32
      %cond3A = arith.constant 0 : i32
      %cond3A_37 = arith.cmpi ne, %convert_element_type3A, %cond3A : i32
      scf.if %cond3A_37 {
        %dma_wait3A_99 = arith.constant 0 : i32
        %dma_wait3A_100 = arith.constant 0 : i32
        %dma_wait3A_101 = tpu.memref_slice %arg6[%add3A_35, %dma_wait3A_99, %dma_wait3A_100] : memref<1024x77x768xf32, #tpu.memory_space<hbm>> -> memref<1x40x768xf32, #tpu.memory_space<hbm>>
        %dma_wait3A_102 = tpu.memref_squeeze %dma_wait3A_101 : memref<1x40x768xf32, #tpu.memory_space<hbm>> -> memref<40x768xf32, #tpu.memory_space<hbm>>
        %dma_wait3A_103 = arith.constant 0 : i32
        %dma_wait3A_104 = arith.constant 0 : i32
        %dma_wait3A_105 = tpu.memref_slice %arg6[%add3A_35, %dma_wait3A_103, %dma_wait3A_104] : memref<1024x77x768xf32, #tpu.memory_space<hbm>> -> memref<1x40x768xf32, #tpu.memory_space<hbm>>
        %dma_wait3A_106 = tpu.memref_squeeze %dma_wait3A_105 : memref<1x40x768xf32, #tpu.memory_space<hbm>> -> memref<40x768xf32, #tpu.memory_space<hbm>>
        tpu.wait_dma2 semaphore(%arg17 : memref<!tpu.dma_semaphore, #tpu.memory_space<semaphore_mem>>) src(%arg11 : memref<40x768xf32, #tpu.memory_space<vmem>>) dst(%dma_wait3A_106 : memref<40x768xf32, #tpu.memory_space<hbm>>)
        %dma_wait3A_107 = arith.constant 40 : i32
        %dma_wait3A_108 = arith.constant 0 : i32
        %dma_wait3A_109 = tpu.memref_slice %arg6[%add3A_35, %dma_wait3A_107, %dma_wait3A_108] : memref<1024x77x768xf32, #tpu.memory_space<hbm>> -> memref<1x32x768xf32, #tpu.memory_space<hbm>>
        %dma_wait3A_110 = tpu.memref_squeeze %dma_wait3A_109 : memref<1x32x768xf32, #tpu.memory_space<hbm>> -> memref<32x768xf32, #tpu.memory_space<hbm>>
        %dma_wait3A_111 = arith.constant 40 : i32
        %dma_wait3A_112 = arith.constant 0 : i32
        %dma_wait3A_113 = tpu.memref_slice %arg6[%add3A_35, %dma_wait3A_111, %dma_wait3A_112] : memref<1024x77x768xf32, #tpu.memory_space<hbm>> -> memref<1x32x768xf32, #tpu.memory_space<hbm>>
        %dma_wait3A_114 = tpu.memref_squeeze %dma_wait3A_113 : memref<1x32x768xf32, #tpu.memory_space<hbm>> -> memref<32x768xf32, #tpu.memory_space<hbm>>
        tpu.wait_dma2 semaphore(%arg18 : memref<!tpu.dma_semaphore, #tpu.memory_space<semaphore_mem>>) src(%arg12 : memref<32x768xf32, #tpu.memory_space<vmem>>) dst(%dma_wait3A_114 : memref<32x768xf32, #tpu.memory_space<hbm>>)
        %dma_wait3A_115 = arith.constant 0 : i32
        %dma_wait3A_116 = arith.constant 0 : i32
        %dma_wait3A_117 = tpu.memref_slice %arg7[%add3A_35, %dma_wait3A_115, %dma_wait3A_116] : memref<1024x8x768xf32, #tpu.memory_space<hbm>> -> memref<1x8x768xf32, #tpu.memory_space<hbm>>
        %dma_wait3A_118 = tpu.memref_squeeze %dma_wait3A_117 : memref<1x8x768xf32, #tpu.memory_space<hbm>> -> memref<8x768xf32, #tpu.memory_space<hbm>>
        %dma_wait3A_119 = arith.constant 0 : i32
        %dma_wait3A_120 = arith.constant 0 : i32
        %dma_wait3A_121 = tpu.memref_slice %arg7[%add3A_35, %dma_wait3A_119, %dma_wait3A_120] : memref<1024x8x768xf32, #tpu.memory_space<hbm>> -> memref<1x8x768xf32, #tpu.memory_space<hbm>>
        %dma_wait3A_122 = tpu.memref_squeeze %dma_wait3A_121 : memref<1x8x768xf32, #tpu.memory_space<hbm>> -> memref<8x768xf32, #tpu.memory_space<hbm>>
        tpu.wait_dma2 semaphore(%arg19 : memref<!tpu.dma_semaphore, #tpu.memory_space<semaphore_mem>>) src(%arg13 : memref<8x768xf32, #tpu.memory_space<vmem>>) dst(%dma_wait3A_122 : memref<8x768xf32, #tpu.memory_space<hbm>>)
      } else {
      }
      %dma_start3A = arith.constant 0 : i32
      %dma_start3A_38 = tpu.memref_slice %arg9[%dma_start3A] : memref<77xi32, #tpu.memory_space<vmem>> -> memref<40xi32, #tpu.memory_space<vmem>>
      %dma_start3A_39 = arith.constant 0 : i32
      %dma_start3A_40 = arith.constant 0 : i32
      %dma_start3A_41 = tpu.memref_slice %arg4[%dma_start3A_39, %dma_start3A_40] : memref<49408x768xf32, #tpu.memory_space<hbm>> -> memref<49408x768xf32, #tpu.memory_space<hbm>>
      tpu.enqueue_indirect_dma source(%dma_start3A_41 : memref<49408x768xf32, #tpu.memory_space<hbm>>) target(%arg11 : memref<40x768xf32, #tpu.memory_space<vmem>>) offsets(%dma_start3A_38 : memref<40xi32, #tpu.memory_space<vmem>>) semaphore(%arg14 : memref<!tpu.dma_semaphore, #tpu.memory_space<semaphore_mem>>)
      %dma_start3A_42 = arith.constant 40 : i32
      %dma_start3A_43 = tpu.memref_slice %arg9[%dma_start3A_42] : memref<77xi32, #tpu.memory_space<vmem>> -> memref<32xi32, #tpu.memory_space<vmem>>
      %dma_start3A_44 = arith.constant 0 : i32
      %dma_start3A_45 = arith.constant 0 : i32
      %dma_start3A_46 = tpu.memref_slice %arg4[%dma_start3A_44, %dma_start3A_45] : memref<49408x768xf32, #tpu.memory_space<hbm>> -> memref<49408x768xf32, #tpu.memory_space<hbm>>
      tpu.enqueue_indirect_dma source(%dma_start3A_46 : memref<49408x768xf32, #tpu.memory_space<hbm>>) target(%arg12 : memref<32x768xf32, #tpu.memory_space<vmem>>) offsets(%dma_start3A_43 : memref<32xi32, #tpu.memory_space<vmem>>) semaphore(%arg15 : memref<!tpu.dma_semaphore, #tpu.memory_space<semaphore_mem>>)
      %dma_start3A_47 = arith.constant 0 : i32
      %dma_start3A_48 = arith.constant 0 : i32
      %dma_start3A_49 = tpu.memref_slice %arg4[%dma_start3A_47, %dma_start3A_48] : memref<49408x768xf32, #tpu.memory_space<hbm>> -> memref<49408x768xf32, #tpu.memory_space<hbm>>
      tpu.enqueue_indirect_dma source(%dma_start3A_49 : memref<49408x768xf32, #tpu.memory_space<hbm>>) target(%arg13 : memref<8x768xf32, #tpu.memory_space<vmem>>) offsets(%arg10 : memref<8xi32, #tpu.memory_space<vmem>>) semaphore(%arg16 : memref<!tpu.dma_semaphore, #tpu.memory_space<semaphore_mem>>)
      %dma_wait3A_50 = arith.constant 0 : i32
      %dma_wait3A_51 = tpu.memref_slice %arg9[%dma_wait3A_50] : memref<77xi32, #tpu.memory_space<vmem>> -> memref<40xi32, #tpu.memory_space<vmem>>
      %dma_wait3A_52 = arith.constant 0 : i32
      %dma_wait3A_53 = arith.constant 0 : i32
      %dma_wait3A_54 = tpu.memref_slice %arg4[%dma_wait3A_52, %dma_wait3A_53] : memref<49408x768xf32, #tpu.memory_space<hbm>> -> memref<49408x768xf32, #tpu.memory_space<hbm>>
      tpu.wait_indirect_dma semaphore(%arg14 : memref<!tpu.dma_semaphore, #tpu.memory_space<semaphore_mem>>) src(%dma_wait3A_54 : memref<49408x768xf32, #tpu.memory_space<hbm>>) dst(%arg11 : memref<40x768xf32, #tpu.memory_space<vmem>>)
      %scan3A_55 = arith.constant 0 : i32
      %scan3A_56 = arith.constant 0 : i32
      %scan3A_57 = arith.constant 40 : i32
      %scan3A_58 = arith.addi %scan3A_56, %scan3A_57 : i32
      %scan3A_59 = arith.constant 1 : i32
      scf.for %scan3A_99 = %scan3A_56 to %scan3A_58 step %scan3A_59  : i32 {
        %add3A_100 = arith.constant 0 : i32
        %add3A_101 = arith.addi %add3A_100, %scan3A_99 : i32
        %get3A = arith.index_cast %add3A_101 : i32 to index
        %get3A_102 = arith.constant 0 : index
        %get3A_103 = tpu.vector_load %arg8[%get3A, %get3A_102] {strides = array<i32>} : memref<72x768xf32, #tpu.memory_space<vmem>>, vector<1x16xf32>,
        %get3A_104 = vector.shape_cast %get3A_103 : vector<1x16xf32> to vector<16xf32>
        %swap3A = arith.index_cast %scan3A_99 : i32 to index
        %swap3A_105 = arith.constant 0 : index
        %swap3A_106 = tpu.vector_load %arg11[%swap3A, %swap3A_105] {strides = array<i32>} : memref<40x768xf32, #tpu.memory_space<vmem>>, vector<1x16xf32>,
        %swap3A_107 = vector.shape_cast %swap3A_106 : vector<1x16xf32> to vector<16xf32>
        %swap3A_108 = vector.shape_cast %get3A_104 : vector<16xf32> to vector<1x16xf32>
        tpu.vector_store %arg11[%swap3A, %swap3A_105], %swap3A_108 {add = true, strides = array<i32>} : memref<40x768xf32, #tpu.memory_space<vmem>>, vector<1x16xf32>,
        %add3A_109 = arith.constant 0 : i32
        %add3A_110 = arith.addi %add3A_109, %scan3A_99 : i32
        %get3A_111 = arith.index_cast %add3A_110 : i32 to index
        %get3A_112 = arith.constant 16 : index
        %get3A_113 = tpu.vector_load %arg8[%get3A_111, %get3A_112] {strides = array<i32>} : memref<72x768xf32, #tpu.memory_space<vmem>>, vector<1x16xf32>,
        %get3A_114 = vector.shape_cast %get3A_113 : vector<1x16xf32> to vector<16xf32>
        %swap3A_115 = arith.index_cast %scan3A_99 : i32 to index
        %swap3A_116 = arith.constant 16 : index
        %swap3A_117 = tpu.vector_load %arg11[%swap3A_115, %swap3A_116] {strides = array<i32>} : memref<40x768xf32, #tpu.memory_space<vmem>>, vector<1x16xf32>,
        %swap3A_118 = vector.shape_cast %swap3A_117 : vector<1x16xf32> to vector<16xf32>
        %swap3A_119 = vector.shape_cast %get3A_114 : vector<16xf32> to vector<1x16xf32>
        tpu.vector_store %arg11[%swap3A_115, %swap3A_116], %swap3A_119 {add = true, strides = array<i32>} : memref<40x768xf32, #tpu.memory_space<vmem>>, vector<1x16xf32>,
        %add3A_120 = arith.constant 0 : i32
        %add3A_121 = arith.addi %add3A_120, %scan3A_99 : i32
        %get3A_122 = arith.index_cast %add3A_121 : i32 to index
        %get3A_123 = arith.constant 32 : index
        %get3A_124 = tpu.vector_load %arg8[%get3A_122, %get3A_123] {strides = array<i32>} : memref<72x768xf32, #tpu.memory_space<vmem>>, vector<1x16xf32>,
        %get3A_125 = vector.shape_cast %get3A_124 : vector<1x16xf32> to vector<16xf32>
        %swap3A_126 = arith.index_cast %scan3A_99 : i32 to index
        %swap3A_127 = arith.constant 32 : index
        %swap3A_128 = tpu.vector_load %arg11[%swap3A_126, %swap3A_127] {strides = array<i32>} : memref<40x768xf32, #tpu.memory_space<vmem>>, vector<1x16xf32>,
        %swap3A_129 = vector.shape_cast %swap3A_128 : vector<1x16xf32> to vector<16xf32>
        %swap3A_130 = vector.shape_cast %get3A_125 : vector<16xf32> to vector<1x16xf32>
        tpu.vector_store %arg11[%swap3A_126, %swap3A_127], %swap3A_130 {add = true, strides = array<i32>} : memref<40x768xf32, #tpu.memory_space<vmem>>, vector<1x16xf32>,
        %add3A_131 = arith.constant 0 : i32
        %add3A_132 = arith.addi %add3A_131, %scan3A_99 : i32
        %get3A_133 = arith.index_cast %add3A_132 : i32 to index
        %get3A_134 = arith.constant 48 : index
        %get3A_135 = tpu.vector_load %arg8[%get3A_133, %get3A_134] {strides = array<i32>} : memref<72x768xf32, #tpu.memory_space<vmem>>, vector<1x16xf32>,
        %get3A_136 = vector.shape_cast %get3A_135 : vector<1x16xf32> to vector<16xf32>
        %swap3A_137 = arith.index_cast %scan3A_99 : i32 to index
        %swap3A_138 = arith.constant 48 : index
        %swap3A_139 = tpu.vector_load %arg11[%swap3A_137, %swap3A_138] {strides = array<i32>} : memref<40x768xf32, #tpu.memory_space<vmem>>, vector<1x16xf32>,
        %swap3A_140 = vector.shape_cast %swap3A_139 : vector<1x16xf32> to vector<16xf32>
        %swap3A_141 = vector.shape_cast %get3A_136 : vector<16xf32> to vector<1x16xf32>
        tpu.vector_store %arg11[%swap3A_137, %swap3A_138], %swap3A_141 {add = true, strides = array<i32>} : memref<40x768xf32, #tpu.memory_space<vmem>>, vector<1x16xf32>,
        %add3A_142 = arith.constant 0 : i32
        %add3A_143 = arith.addi %add3A_142, %scan3A_99 : i32
        %get3A_144 = arith.index_cast %add3A_143 : i32 to index
        %get3A_145 = arith.constant 64 : index
        %get3A_146 = tpu.vector_load %arg8[%get3A_144, %get3A_145] {strides = array<i32>} : memref<72x768xf32, #tpu.memory_space<vmem>>, vector<1x16xf32>,
        %get3A_147 = vector.shape_cast %get3A_146 : vector<1x16xf32> to vector<16xf32>
        %swap3A_148 = arith.index_cast %scan3A_99 : i32 to index
        %swap3A_149 = arith.constant 64 : index
        %swap3A_150 = tpu.vector_load %arg11[%swap3A_148, %swap3A_149] {strides = array<i32>} : memref<40x768xf32, #tpu.memory_space<vmem>>, vector<1x16xf32>,
        %swap3A_151 = vector.shape_cast %swap3A_150 : vector<1x16xf32> to vector<16xf32>
        %swap3A_152 = vector.shape_cast %get3A_147 : vector<16xf32> to vector<1x16xf32>
        tpu.vector_store %arg11[%swap3A_148, %swap3A_149], %swap3A_152 {add = true, strides = array<i32>} : memref<40x768xf32, #tpu.memory_space<vmem>>, vector<1x16xf32>,
        %add3A_153 = arith.constant 0 : i32
        %add3A_154 = arith.addi %add3A_153, %scan3A_99 : i32
        %get3A_155 = arith.index_cast %add3A_154 : i32 to index
        %get3A_156 = arith.constant 80 : index
        %get3A_157 = tpu.vector_load %arg8[%get3A_155, %get3A_156] {strides = array<i32>} : memref<72x768xf32, #tpu.memory_space<vmem>>, vector<1x16xf32>,
        %get3A_158 = vector.shape_cast %get3A_157 : vector<1x16xf32> to vector<16xf32>
        %swap3A_159 = arith.index_cast %scan3A_99 : i32 to index
        %swap3A_160 = arith.constant 80 : index
        %swap3A_161 = tpu.vector_load %arg11[%swap3A_159, %swap3A_160] {strides = array<i32>} : memref<40x768xf32, #tpu.memory_space<vmem>>, vector<1x16xf32>,
        %swap3A_162 = vector.shape_cast %swap3A_161 : vector<1x16xf32> to vector<16xf32>
        %swap3A_163 = vector.shape_cast %get3A_158 : vector<16xf32> to vector<1x16xf32>
        tpu.vector_store %arg11[%swap3A_159, %swap3A_160], %swap3A_163 {add = true, strides = array<i32>} : memref<40x768xf32, #tpu.memory_space<vmem>>, vector<1x16xf32>,
        %add3A_164 = arith.constant 0 : i32
        %add3A_165 = arith.addi %add3A_164, %scan3A_99 : i32
        %get3A_166 = arith.index_cast %add3A_165 : i32 to index
        %get3A_167 = arith.constant 96 : index
        %get3A_168 = tpu.vector_load %arg8[%get3A_166, %get3A_167] {strides = array<i32>} : memref<72x768xf32, #tpu.memory_space<vmem>>, vector<1x16xf32>,
        %get3A_169 = vector.shape_cast %get3A_168 : vector<1x16xf32> to vector<16xf32>
        %swap3A_170 = arith.index_cast %scan3A_99 : i32 to index
        %swap3A_171 = arith.constant 96 : index
        %swap3A_172 = tpu.vector_load %arg11[%swap3A_170, %swap3A_171] {strides = array<i32>} : memref<40x768xf32, #tpu.memory_space<vmem>>, vector<1x16xf32>,
        %swap3A_173 = vector.shape_cast %swap3A_172 : vector<1x16xf32> to vector<16xf32>
        %swap3A_174 = vector.shape_cast %get3A_169 : vector<16xf32> to vector<1x16xf32>
        tpu.vector_store %arg11[%swap3A_170, %swap3A_171], %swap3A_174 {add = true, strides = array<i32>} : memref<40x768xf32, #tpu.memory_space<vmem>>, vector<1x16xf32>,
        %add3A_175 = arith.constant 0 : i32
        %add3A_176 = arith.addi %add3A_175, %scan3A_99 : i32
        %get3A_177 = arith.index_cast %add3A_176 : i32 to index
        %get3A_178 = arith.constant 112 : index
        %get3A_179 = tpu.vector_load %arg8[%get3A_177, %get3A_178] {strides = array<i32>} : memref<72x768xf32, #tpu.memory_space<vmem>>, vector<1x16xf32>,
        %get3A_180 = vector.shape_cast %get3A_179 : vector<1x16xf32> to vector<16xf32>
        %swap3A_181 = arith.index_cast %scan3A_99 : i32 to index
        %swap3A_182 = arith.constant 112 : index
        %swap3A_183 = tpu.vector_load %arg11[%swap3A_181, %swap3A_182] {strides = array<i32>} : memref<40x768xf32, #tpu.memory_space<vmem>>, vector<1x16xf32>,
        %swap3A_184 = vector.shape_cast %swap3A_183 : vector<1x16xf32> to vector<16xf32>
        %swap3A_185 = vector.shape_cast %get3A_180 : vector<16xf32> to vector<1x16xf32>
        tpu.vector_store %arg11[%swap3A_181, %swap3A_182], %swap3A_185 {add = true, strides = array<i32>} : memref<40x768xf32, #tpu.memory_space<vmem>>, vector<1x16xf32>,
        %add3A_186 = arith.constant 0 : i32
        %add3A_187 = arith.addi %add3A_186, %scan3A_99 : i32
        %get3A_188 = arith.index_cast %add3A_187 : i32 to index
        %get3A_189 = arith.constant 128 : index
        %get3A_190 = tpu.vector_load %arg8[%get3A_188, %get3A_189] {strides = array<i32>} : memref<72x768xf32, #tpu.memory_space<vmem>>, vector<1x16xf32>,
        %get3A_191 = vector.shape_cast %get3A_190 : vector<1x16xf32> to vector<16xf32>
        %swap3A_192 = arith.index_cast %scan3A_99 : i32 to index
        %swap3A_193 = arith.constant 128 : index
        %swap3A_194 = tpu.vector_load %arg11[%swap3A_192, %swap3A_193] {strides = array<i32>} : memref<40x768xf32, #tpu.memory_space<vmem>>, vector<1x16xf32>,
        %swap3A_195 = vector.shape_cast %swap3A_194 : vector<1x16xf32> to vector<16xf32>
        %swap3A_196 = vector.shape_cast %get3A_191 : vector<16xf32> to vector<1x16xf32>
        tpu.vector_store %arg11[%swap3A_192, %swap3A_193], %swap3A_196 {add = true, strides = array<i32>} : memref<40x768xf32, #tpu.memory_space<vmem>>, vector<1x16xf32>,
        %add3A_197 = arith.constant 0 : i32
        %add3A_198 = arith.addi %add3A_197, %scan3A_99 : i32
        %get3A_199 = arith.index_cast %add3A_198 : i32 to index
        %get3A_200 = arith.constant 144 : index
        %get3A_201 = tpu.vector_load %arg8[%get3A_199, %get3A_200] {strides = array<i32>} : memref<72x768xf32, #tpu.memory_space<vmem>>, vector<1x16xf32>,
        %get3A_202 = vector.shape_cast %get3A_201 : vector<1x16xf32> to vector<16xf32>
        %swap3A_203 = arith.index_cast %scan3A_99 : i32 to index
        %swap3A_204 = arith.constant 144 : index
        %swap3A_205 = tpu.vector_load %arg11[%swap3A_203, %swap3A_204] {strides = array<i32>} : memref<40x768xf32, #tpu.memory_space<vmem>>, vector<1x16xf32>,
        %swap3A_206 = vector.shape_cast %swap3A_205 : vector<1x16xf32> to vector<16xf32>
        %swap3A_207 = vector.shape_cast %get3A_202 : vector<16xf32> to vector<1x16xf32>
        tpu.vector_store %arg11[%swap3A_203, %swap3A_204], %swap3A_207 {add = true, strides = array<i32>} : memref<40x768xf32, #tpu.memory_space<vmem>>, vector<1x16xf32>,
        %add3A_208 = arith.constant 0 : i32
        %add3A_209 = arith.addi %add3A_208, %scan3A_99 : i32
        %get3A_210 = arith.index_cast %add3A_209 : i32 to index
        %get3A_211 = arith.constant 160 : index
        %get3A_212 = tpu.vector_load %arg8[%get3A_210, %get3A_211] {strides = array<i32>} : memref<72x768xf32, #tpu.memory_space<vmem>>, vector<1x16xf32>,
        %get3A_213 = vector.shape_cast %get3A_212 : vector<1x16xf32> to vector<16xf32>
        %swap3A_214 = arith.index_cast %scan3A_99 : i32 to index
        %swap3A_215 = arith.constant 160 : index
        %swap3A_216 = tpu.vector_load %arg11[%swap3A_214, %swap3A_215] {strides = array<i32>} : memref<40x768xf32, #tpu.memory_space<vmem>>, vector<1x16xf32>,
        %swap3A_217 = vector.shape_cast %swap3A_216 : vector<1x16xf32> to vector<16xf32>
        %swap3A_218 = vector.shape_cast %get3A_213 : vector<16xf32> to vector<1x16xf32>
        tpu.vector_store %arg11[%swap3A_214, %swap3A_215], %swap3A_218 {add = true, strides = array<i32>} : memref<40x768xf32, #tpu.memory_space<vmem>>, vector<1x16xf32>,
        %add3A_219 = arith.constant 0 : i32
        %add3A_220 = arith.addi %add3A_219, %scan3A_99 : i32
        %get3A_221 = arith.index_cast %add3A_220 : i32 to index
        %get3A_222 = arith.constant 176 : index
        %get3A_223 = tpu.vector_load %arg8[%get3A_221, %get3A_222] {strides = array<i32>} : memref<72x768xf32, #tpu.memory_space<vmem>>, vector<1x16xf32>,
        %get3A_224 = vector.shape_cast %get3A_223 : vector<1x16xf32> to vector<16xf32>
        %swap3A_225 = arith.index_cast %scan3A_99 : i32 to index
        %swap3A_226 = arith.constant 176 : index
        %swap3A_227 = tpu.vector_load %arg11[%swap3A_225, %swap3A_226] {strides = array<i32>} : memref<40x768xf32, #tpu.memory_space<vmem>>, vector<1x16xf32>,
        %swap3A_228 = vector.shape_cast %swap3A_227 : vector<1x16xf32> to vector<16xf32>
        %swap3A_229 = vector.shape_cast %get3A_224 : vector<16xf32> to vector<1x16xf32>
        tpu.vector_store %arg11[%swap3A_225, %swap3A_226], %swap3A_229 {add = true, strides = array<i32>} : memref<40x768xf32, #tpu.memory_space<vmem>>, vector<1x16xf32>,
        %add3A_230 = arith.constant 0 : i32
        %add3A_231 = arith.addi %add3A_230, %scan3A_99 : i32
        %get3A_232 = arith.index_cast %add3A_231 : i32 to index
        %get3A_233 = arith.constant 192 : index
        %get3A_234 = tpu.vector_load %arg8[%get3A_232, %get3A_233] {strides = array<i32>} : memref<72x768xf32, #tpu.memory_space<vmem>>, vector<1x16xf32>,
        %get3A_235 = vector.shape_cast %get3A_234 : vector<1x16xf32> to vector<16xf32>
        %swap3A_236 = arith.index_cast %scan3A_99 : i32 to index
        %swap3A_237 = arith.constant 192 : index
        %swap3A_238 = tpu.vector_load %arg11[%swap3A_236, %swap3A_237] {strides = array<i32>} : memref<40x768xf32, #tpu.memory_space<vmem>>, vector<1x16xf32>,
        %swap3A_239 = vector.shape_cast %swap3A_238 : vector<1x16xf32> to vector<16xf32>
        %swap3A_240 = vector.shape_cast %get3A_235 : vector<16xf32> to vector<1x16xf32>
        tpu.vector_store %arg11[%swap3A_236, %swap3A_237], %swap3A_240 {add = true, strides = array<i32>} : memref<40x768xf32, #tpu.memory_space<vmem>>, vector<1x16xf32>,
        %add3A_241 = arith.constant 0 : i32
        %add3A_242 = arith.addi %add3A_241, %scan3A_99 : i32
        %get3A_243 = arith.index_cast %add3A_242 : i32 to index
        %get3A_244 = arith.constant 208 : index
        %get3A_245 = tpu.vector_load %arg8[%get3A_243, %get3A_244] {strides = array<i32>} : memref<72x768xf32, #tpu.memory_space<vmem>>, vector<1x16xf32>,
        %get3A_246 = vector.shape_cast %get3A_245 : vector<1x16xf32> to vector<16xf32>
        %swap3A_247 = arith.index_cast %scan3A_99 : i32 to index
        %swap3A_248 = arith.constant 208 : index
        %swap3A_249 = tpu.vector_load %arg11[%swap3A_247, %swap3A_248] {strides = array<i32>} : memref<40x768xf32, #tpu.memory_space<vmem>>, vector<1x16xf32>,
        %swap3A_250 = vector.shape_cast %swap3A_249 : vector<1x16xf32> to vector<16xf32>
        %swap3A_251 = vector.shape_cast %get3A_246 : vector<16xf32> to vector<1x16xf32>
        tpu.vector_store %arg11[%swap3A_247, %swap3A_248], %swap3A_251 {add = true, strides = array<i32>} : memref<40x768xf32, #tpu.memory_space<vmem>>, vector<1x16xf32>,
        %add3A_252 = arith.constant 0 : i32
        %add3A_253 = arith.addi %add3A_252, %scan3A_99 : i32
        %get3A_254 = arith.index_cast %add3A_253 : i32 to index
        %get3A_255 = arith.constant 224 : index
        %get3A_256 = tpu.vector_load %arg8[%get3A_254, %get3A_255] {strides = array<i32>} : memref<72x768xf32, #tpu.memory_space<vmem>>, vector<1x16xf32>,
        %get3A_257 = vector.shape_cast %get3A_256 : vector<1x16xf32> to vector<16xf32>
        %swap3A_258 = arith.index_cast %scan3A_99 : i32 to index
        %swap3A_259 = arith.constant 224 : index
        %swap3A_260 = tpu.vector_load %arg11[%swap3A_258, %swap3A_259] {strides = array<i32>} : memref<40x768xf32, #tpu.memory_space<vmem>>, vector<1x16xf32>,
        %swap3A_261 = vector.shape_cast %swap3A_260 : vector<1x16xf32> to vector<16xf32>
        %swap3A_262 = vector.shape_cast %get3A_257 : vector<16xf32> to vector<1x16xf32>
        tpu.vector_store %arg11[%swap3A_258, %swap3A_259], %swap3A_262 {add = true, strides = array<i32>} : memref<40x768xf32, #tpu.memory_space<vmem>>, vector<1x16xf32>,
        %add3A_263 = arith.constant 0 : i32
        %add3A_264 = arith.addi %add3A_263, %scan3A_99 : i32
        %get3A_265 = arith.index_cast %add3A_264 : i32 to index
        %get3A_266 = arith.constant 240 : index
        %get3A_267 = tpu.vector_load %arg8[%get3A_265, %get3A_266] {strides = array<i32>} : memref<72x768xf32, #tpu.memory_space<vmem>>, vector<1x16xf32>,
        %get3A_268 = vector.shape_cast %get3A_267 : vector<1x16xf32> to vector<16xf32>
        %swap3A_269 = arith.index_cast %scan3A_99 : i32 to index
        %swap3A_270 = arith.constant 240 : index
        %swap3A_271 = tpu.vector_load %arg11[%swap3A_269, %swap3A_270] {strides = array<i32>} : memref<40x768xf32, #tpu.memory_space<vmem>>, vector<1x16xf32>,
        %swap3A_272 = vector.shape_cast %swap3A_271 : vector<1x16xf32> to vector<16xf32>
        %swap3A_273 = vector.shape_cast %get3A_268 : vector<16xf32> to vector<1x16xf32>
        tpu.vector_store %arg11[%swap3A_269, %swap3A_270], %swap3A_273 {add = true, strides = array<i32>} : memref<40x768xf32, #tpu.memory_space<vmem>>, vector<1x16xf32>,
        %add3A_274 = arith.constant 0 : i32
        %add3A_275 = arith.addi %add3A_274, %scan3A_99 : i32
        %get3A_276 = arith.index_cast %add3A_275 : i32 to index
        %get3A_277 = arith.constant 256 : index
        %get3A_278 = tpu.vector_load %arg8[%get3A_276, %get3A_277] {strides = array<i32>} : memref<72x768xf32, #tpu.memory_space<vmem>>, vector<1x16xf32>,
        %get3A_279 = vector.shape_cast %get3A_278 : vector<1x16xf32> to vector<16xf32>
        %swap3A_280 = arith.index_cast %scan3A_99 : i32 to index
        %swap3A_281 = arith.constant 256 : index
        %swap3A_282 = tpu.vector_load %arg11[%swap3A_280, %swap3A_281] {strides = array<i32>} : memref<40x768xf32, #tpu.memory_space<vmem>>, vector<1x16xf32>,
        %swap3A_283 = vector.shape_cast %swap3A_282 : vector<1x16xf32> to vector<16xf32>
        %swap3A_284 = vector.shape_cast %get3A_279 : vector<16xf32> to vector<1x16xf32>
        tpu.vector_store %arg11[%swap3A_280, %swap3A_281], %swap3A_284 {add = true, strides = array<i32>} : memref<40x768xf32, #tpu.memory_space<vmem>>, vector<1x16xf32>,
        %add3A_285 = arith.constant 0 : i32
        %add3A_286 = arith.addi %add3A_285, %scan3A_99 : i32
        %get3A_287 = arith.index_cast %add3A_286 : i32 to index
        %get3A_288 = arith.constant 272 : index
        %get3A_289 = tpu.vector_load %arg8[%get3A_287, %get3A_288] {strides = array<i32>} : memref<72x768xf32, #tpu.memory_space<vmem>>, vector<1x16xf32>,
        %get3A_290 = vector.shape_cast %get3A_289 : vector<1x16xf32> to vector<16xf32>
        %swap3A_291 = arith.index_cast %scan3A_99 : i32 to index
        %swap3A_292 = arith.constant 272 : index
        %swap3A_293 = tpu.vector_load %arg11[%swap3A_291, %swap3A_292] {strides = array<i32>} : memref<40x768xf32, #tpu.memory_space<vmem>>, vector<1x16xf32>,
        %swap3A_294 = vector.shape_cast %swap3A_293 : vector<1x16xf32> to vector<16xf32>
        %swap3A_295 = vector.shape_cast %get3A_290 : vector<16xf32> to vector<1x16xf32>
        tpu.vector_store %arg11[%swap3A_291, %swap3A_292], %swap3A_295 {add = true, strides = array<i32>} : memref<40x768xf32, #tpu.memory_space<vmem>>, vector<1x16xf32>,
        %add3A_296 = arith.constant 0 : i32
        %add3A_297 = arith.addi %add3A_296, %scan3A_99 : i32
        %get3A_298 = arith.index_cast %add3A_297 : i32 to index
        %get3A_299 = arith.constant 288 : index
        %get3A_300 = tpu.vector_load %arg8[%get3A_298, %get3A_299] {strides = array<i32>} : memref<72x768xf32, #tpu.memory_space<vmem>>, vector<1x16xf32>,
        %get3A_301 = vector.shape_cast %get3A_300 : vector<1x16xf32> to vector<16xf32>
        %swap3A_302 = arith.index_cast %scan3A_99 : i32 to index
        %swap3A_303 = arith.constant 288 : index
        %swap3A_304 = tpu.vector_load %arg11[%swap3A_302, %swap3A_303] {strides = array<i32>} : memref<40x768xf32, #tpu.memory_space<vmem>>, vector<1x16xf32>,
        %swap3A_305 = vector.shape_cast %swap3A_304 : vector<1x16xf32> to vector<16xf32>
        %swap3A_306 = vector.shape_cast %get3A_301 : vector<16xf32> to vector<1x16xf32>
        tpu.vector_store %arg11[%swap3A_302, %swap3A_303], %swap3A_306 {add = true, strides = array<i32>} : memref<40x768xf32, #tpu.memory_space<vmem>>, vector<1x16xf32>,
        %add3A_307 = arith.constant 0 : i32
        %add3A_308 = arith.addi %add3A_307, %scan3A_99 : i32
        %get3A_309 = arith.index_cast %add3A_308 : i32 to index
        %get3A_310 = arith.constant 304 : index
        %get3A_311 = tpu.vector_load %arg8[%get3A_309, %get3A_310] {strides = array<i32>} : memref<72x768xf32, #tpu.memory_space<vmem>>, vector<1x16xf32>,
        %get3A_312 = vector.shape_cast %get3A_311 : vector<1x16xf32> to vector<16xf32>
        %swap3A_313 = arith.index_cast %scan3A_99 : i32 to index
        %swap3A_314 = arith.constant 304 : index
        %swap3A_315 = tpu.vector_load %arg11[%swap3A_313, %swap3A_314] {strides = array<i32>} : memref<40x768xf32, #tpu.memory_space<vmem>>, vector<1x16xf32>,
        %swap3A_316 = vector.shape_cast %swap3A_315 : vector<1x16xf32> to vector<16xf32>
        %swap3A_317 = vector.shape_cast %get3A_312 : vector<16xf32> to vector<1x16xf32>
        tpu.vector_store %arg11[%swap3A_313, %swap3A_314], %swap3A_317 {add = true, strides = array<i32>} : memref<40x768xf32, #tpu.memory_space<vmem>>, vector<1x16xf32>,
        %add3A_318 = arith.constant 0 : i32
        %add3A_319 = arith.addi %add3A_318, %scan3A_99 : i32
        %get3A_320 = arith.index_cast %add3A_319 : i32 to index
        %get3A_321 = arith.constant 320 : index
        %get3A_322 = tpu.vector_load %arg8[%get3A_320, %get3A_321] {strides = array<i32>} : memref<72x768xf32, #tpu.memory_space<vmem>>, vector<1x16xf32>,
        %get3A_323 = vector.shape_cast %get3A_322 : vector<1x16xf32> to vector<16xf32>
        %swap3A_324 = arith.index_cast %scan3A_99 : i32 to index
        %swap3A_325 = arith.constant 320 : index
        %swap3A_326 = tpu.vector_load %arg11[%swap3A_324, %swap3A_325] {strides = array<i32>} : memref<40x768xf32, #tpu.memory_space<vmem>>, vector<1x16xf32>,
        %swap3A_327 = vector.shape_cast %swap3A_326 : vector<1x16xf32> to vector<16xf32>
        %swap3A_328 = vector.shape_cast %get3A_323 : vector<16xf32> to vector<1x16xf32>
        tpu.vector_store %arg11[%swap3A_324, %swap3A_325], %swap3A_328 {add = true, strides = array<i32>} : memref<40x768xf32, #tpu.memory_space<vmem>>, vector<1x16xf32>,
        %add3A_329 = arith.constant 0 : i32
        %add3A_330 = arith.addi %add3A_329, %scan3A_99 : i32
        %get3A_331 = arith.index_cast %add3A_330 : i32 to index
        %get3A_332 = arith.constant 336 : index
        %get3A_333 = tpu.vector_load %arg8[%get3A_331, %get3A_332] {strides = array<i32>} : memref<72x768xf32, #tpu.memory_space<vmem>>, vector<1x16xf32>,
        %get3A_334 = vector.shape_cast %get3A_333 : vector<1x16xf32> to vector<16xf32>
        %swap3A_335 = arith.index_cast %scan3A_99 : i32 to index
        %swap3A_336 = arith.constant 336 : index
        %swap3A_337 = tpu.vector_load %arg11[%swap3A_335, %swap3A_336] {strides = array<i32>} : memref<40x768xf32, #tpu.memory_space<vmem>>, vector<1x16xf32>,
        %swap3A_338 = vector.shape_cast %swap3A_337 : vector<1x16xf32> to vector<16xf32>
        %swap3A_339 = vector.shape_cast %get3A_334 : vector<16xf32> to vector<1x16xf32>
        tpu.vector_store %arg11[%swap3A_335, %swap3A_336], %swap3A_339 {add = true, strides = array<i32>} : memref<40x768xf32, #tpu.memory_space<vmem>>, vector<1x16xf32>,
        %add3A_340 = arith.constant 0 : i32
        %add3A_341 = arith.addi %add3A_340, %scan3A_99 : i32
        %get3A_342 = arith.index_cast %add3A_341 : i32 to index
        %get3A_343 = arith.constant 352 : index
        %get3A_344 = tpu.vector_load %arg8[%get3A_342, %get3A_343] {strides = array<i32>} : memref<72x768xf32, #tpu.memory_space<vmem>>, vector<1x16xf32>,
        %get3A_345 = vector.shape_cast %get3A_344 : vector<1x16xf32> to vector<16xf32>
        %swap3A_346 = arith.index_cast %scan3A_99 : i32 to index
        %swap3A_347 = arith.constant 352 : index
        %swap3A_348 = tpu.vector_load %arg11[%swap3A_346, %swap3A_347] {strides = array<i32>} : memref<40x768xf32, #tpu.memory_space<vmem>>, vector<1x16xf32>,
        %swap3A_349 = vector.shape_cast %swap3A_348 : vector<1x16xf32> to vector<16xf32>
        %swap3A_350 = vector.shape_cast %get3A_345 : vector<16xf32> to vector<1x16xf32>
        tpu.vector_store %arg11[%swap3A_346, %swap3A_347], %swap3A_350 {add = true, strides = array<i32>} : memref<40x768xf32, #tpu.memory_space<vmem>>, vector<1x16xf32>,
        %add3A_351 = arith.constant 0 : i32
        %add3A_352 = arith.addi %add3A_351, %scan3A_99 : i32
        %get3A_353 = arith.index_cast %add3A_352 : i32 to index
        %get3A_354 = arith.constant 368 : index
        %get3A_355 = tpu.vector_load %arg8[%get3A_353, %get3A_354] {strides = array<i32>} : memref<72x768xf32, #tpu.memory_space<vmem>>, vector<1x16xf32>,
        %get3A_356 = vector.shape_cast %get3A_355 : vector<1x16xf32> to vector<16xf32>
        %swap3A_357 = arith.index_cast %scan3A_99 : i32 to index
        %swap3A_358 = arith.constant 368 : index
        %swap3A_359 = tpu.vector_load %arg11[%swap3A_357, %swap3A_358] {strides = array<i32>} : memref<40x768xf32, #tpu.memory_space<vmem>>, vector<1x16xf32>,
        %swap3A_360 = vector.shape_cast %swap3A_359 : vector<1x16xf32> to vector<16xf32>
        %swap3A_361 = vector.shape_cast %get3A_356 : vector<16xf32> to vector<1x16xf32>
        tpu.vector_store %arg11[%swap3A_357, %swap3A_358], %swap3A_361 {add = true, strides = array<i32>} : memref<40x768xf32, #tpu.memory_space<vmem>>, vector<1x16xf32>,
        %add3A_362 = arith.constant 0 : i32
        %add3A_363 = arith.addi %add3A_362, %scan3A_99 : i32
        %get3A_364 = arith.index_cast %add3A_363 : i32 to index
        %get3A_365 = arith.constant 384 : index
        %get3A_366 = tpu.vector_load %arg8[%get3A_364, %get3A_365] {strides = array<i32>} : memref<72x768xf32, #tpu.memory_space<vmem>>, vector<1x16xf32>,
        %get3A_367 = vector.shape_cast %get3A_366 : vector<1x16xf32> to vector<16xf32>
        %swap3A_368 = arith.index_cast %scan3A_99 : i32 to index
        %swap3A_369 = arith.constant 384 : index
        %swap3A_370 = tpu.vector_load %arg11[%swap3A_368, %swap3A_369] {strides = array<i32>} : memref<40x768xf32, #tpu.memory_space<vmem>>, vector<1x16xf32>,
        %swap3A_371 = vector.shape_cast %swap3A_370 : vector<1x16xf32> to vector<16xf32>
        %swap3A_372 = vector.shape_cast %get3A_367 : vector<16xf32> to vector<1x16xf32>
        tpu.vector_store %arg11[%swap3A_368, %swap3A_369], %swap3A_372 {add = true, strides = array<i32>} : memref<40x768xf32, #tpu.memory_space<vmem>>, vector<1x16xf32>,
        %add3A_373 = arith.constant 0 : i32
        %add3A_374 = arith.addi %add3A_373, %scan3A_99 : i32
        %get3A_375 = arith.index_cast %add3A_374 : i32 to index
        %get3A_376 = arith.constant 400 : index
        %get3A_377 = tpu.vector_load %arg8[%get3A_375, %get3A_376] {strides = array<i32>} : memref<72x768xf32, #tpu.memory_space<vmem>>, vector<1x16xf32>,
        %get3A_378 = vector.shape_cast %get3A_377 : vector<1x16xf32> to vector<16xf32>
        %swap3A_379 = arith.index_cast %scan3A_99 : i32 to index
        %swap3A_380 = arith.constant 400 : index
        %swap3A_381 = tpu.vector_load %arg11[%swap3A_379, %swap3A_380] {strides = array<i32>} : memref<40x768xf32, #tpu.memory_space<vmem>>, vector<1x16xf32>,
        %swap3A_382 = vector.shape_cast %swap3A_381 : vector<1x16xf32> to vector<16xf32>
        %swap3A_383 = vector.shape_cast %get3A_378 : vector<16xf32> to vector<1x16xf32>
        tpu.vector_store %arg11[%swap3A_379, %swap3A_380], %swap3A_383 {add = true, strides = array<i32>} : memref<40x768xf32, #tpu.memory_space<vmem>>, vector<1x16xf32>,
        %add3A_384 = arith.constant 0 : i32
        %add3A_385 = arith.addi %add3A_384, %scan3A_99 : i32
        %get3A_386 = arith.index_cast %add3A_385 : i32 to index
        %get3A_387 = arith.constant 416 : index
        %get3A_388 = tpu.vector_load %arg8[%get3A_386, %get3A_387] {strides = array<i32>} : memref<72x768xf32, #tpu.memory_space<vmem>>, vector<1x16xf32>,
        %get3A_389 = vector.shape_cast %get3A_388 : vector<1x16xf32> to vector<16xf32>
        %swap3A_390 = arith.index_cast %scan3A_99 : i32 to index
        %swap3A_391 = arith.constant 416 : index
        %swap3A_392 = tpu.vector_load %arg11[%swap3A_390, %swap3A_391] {strides = array<i32>} : memref<40x768xf32, #tpu.memory_space<vmem>>, vector<1x16xf32>,
        %swap3A_393 = vector.shape_cast %swap3A_392 : vector<1x16xf32> to vector<16xf32>
        %swap3A_394 = vector.shape_cast %get3A_389 : vector<16xf32> to vector<1x16xf32>
        tpu.vector_store %arg11[%swap3A_390, %swap3A_391], %swap3A_394 {add = true, strides = array<i32>} : memref<40x768xf32, #tpu.memory_space<vmem>>, vector<1x16xf32>,
        %add3A_395 = arith.constant 0 : i32
        %add3A_396 = arith.addi %add3A_395, %scan3A_99 : i32
        %get3A_397 = arith.index_cast %add3A_396 : i32 to index
        %get3A_398 = arith.constant 432 : index
        %get3A_399 = tpu.vector_load %arg8[%get3A_397, %get3A_398] {strides = array<i32>} : memref<72x768xf32, #tpu.memory_space<vmem>>, vector<1x16xf32>,
        %get3A_400 = vector.shape_cast %get3A_399 : vector<1x16xf32> to vector<16xf32>
        %swap3A_401 = arith.index_cast %scan3A_99 : i32 to index
        %swap3A_402 = arith.constant 432 : index
        %swap3A_403 = tpu.vector_load %arg11[%swap3A_401, %swap3A_402] {strides = array<i32>} : memref<40x768xf32, #tpu.memory_space<vmem>>, vector<1x16xf32>,
        %swap3A_404 = vector.shape_cast %swap3A_403 : vector<1x16xf32> to vector<16xf32>
        %swap3A_405 = vector.shape_cast %get3A_400 : vector<16xf32> to vector<1x16xf32>
        tpu.vector_store %arg11[%swap3A_401, %swap3A_402], %swap3A_405 {add = true, strides = array<i32>} : memref<40x768xf32, #tpu.memory_space<vmem>>, vector<1x16xf32>,
        %add3A_406 = arith.constant 0 : i32
        %add3A_407 = arith.addi %add3A_406, %scan3A_99 : i32
        %get3A_408 = arith.index_cast %add3A_407 : i32 to index
        %get3A_409 = arith.constant 448 : index
        %get3A_410 = tpu.vector_load %arg8[%get3A_408, %get3A_409] {strides = array<i32>} : memref<72x768xf32, #tpu.memory_space<vmem>>, vector<1x16xf32>,
        %get3A_411 = vector.shape_cast %get3A_410 : vector<1x16xf32> to vector<16xf32>
        %swap3A_412 = arith.index_cast %scan3A_99 : i32 to index
        %swap3A_413 = arith.constant 448 : index
        %swap3A_414 = tpu.vector_load %arg11[%swap3A_412, %swap3A_413] {strides = array<i32>} : memref<40x768xf32, #tpu.memory_space<vmem>>, vector<1x16xf32>,
        %swap3A_415 = vector.shape_cast %swap3A_414 : vector<1x16xf32> to vector<16xf32>
        %swap3A_416 = vector.shape_cast %get3A_411 : vector<16xf32> to vector<1x16xf32>
        tpu.vector_store %arg11[%swap3A_412, %swap3A_413], %swap3A_416 {add = true, strides = array<i32>} : memref<40x768xf32, #tpu.memory_space<vmem>>, vector<1x16xf32>,
        %add3A_417 = arith.constant 0 : i32
        %add3A_418 = arith.addi %add3A_417, %scan3A_99 : i32
        %get3A_419 = arith.index_cast %add3A_418 : i32 to index
        %get3A_420 = arith.constant 464 : index
        %get3A_421 = tpu.vector_load %arg8[%get3A_419, %get3A_420] {strides = array<i32>} : memref<72x768xf32, #tpu.memory_space<vmem>>, vector<1x16xf32>,
        %get3A_422 = vector.shape_cast %get3A_421 : vector<1x16xf32> to vector<16xf32>
        %swap3A_423 = arith.index_cast %scan3A_99 : i32 to index
        %swap3A_424 = arith.constant 464 : index
        %swap3A_425 = tpu.vector_load %arg11[%swap3A_423, %swap3A_424] {strides = array<i32>} : memref<40x768xf32, #tpu.memory_space<vmem>>, vector<1x16xf32>,
        %swap3A_426 = vector.shape_cast %swap3A_425 : vector<1x16xf32> to vector<16xf32>
        %swap3A_427 = vector.shape_cast %get3A_422 : vector<16xf32> to vector<1x16xf32>
        tpu.vector_store %arg11[%swap3A_423, %swap3A_424], %swap3A_427 {add = true, strides = array<i32>} : memref<40x768xf32, #tpu.memory_space<vmem>>, vector<1x16xf32>,
        %add3A_428 = arith.constant 0 : i32
        %add3A_429 = arith.addi %add3A_428, %scan3A_99 : i32
        %get3A_430 = arith.index_cast %add3A_429 : i32 to index
        %get3A_431 = arith.constant 480 : index
        %get3A_432 = tpu.vector_load %arg8[%get3A_430, %get3A_431] {strides = array<i32>} : memref<72x768xf32, #tpu.memory_space<vmem>>, vector<1x16xf32>,
        %get3A_433 = vector.shape_cast %get3A_432 : vector<1x16xf32> to vector<16xf32>
        %swap3A_434 = arith.index_cast %scan3A_99 : i32 to index
        %swap3A_435 = arith.constant 480 : index
        %swap3A_436 = tpu.vector_load %arg11[%swap3A_434, %swap3A_435] {strides = array<i32>} : memref<40x768xf32, #tpu.memory_space<vmem>>, vector<1x16xf32>,
        %swap3A_437 = vector.shape_cast %swap3A_436 : vector<1x16xf32> to vector<16xf32>
        %swap3A_438 = vector.shape_cast %get3A_433 : vector<16xf32> to vector<1x16xf32>
        tpu.vector_store %arg11[%swap3A_434, %swap3A_435], %swap3A_438 {add = true, strides = array<i32>} : memref<40x768xf32, #tpu.memory_space<vmem>>, vector<1x16xf32>,
        %add3A_439 = arith.constant 0 : i32
        %add3A_440 = arith.addi %add3A_439, %scan3A_99 : i32
        %get3A_441 = arith.index_cast %add3A_440 : i32 to index
        %get3A_442 = arith.constant 496 : index
        %get3A_443 = tpu.vector_load %arg8[%get3A_441, %get3A_442] {strides = array<i32>} : memref<72x768xf32, #tpu.memory_space<vmem>>, vector<1x16xf32>,
        %get3A_444 = vector.shape_cast %get3A_443 : vector<1x16xf32> to vector<16xf32>
        %swap3A_445 = arith.index_cast %scan3A_99 : i32 to index
        %swap3A_446 = arith.constant 496 : index
        %swap3A_447 = tpu.vector_load %arg11[%swap3A_445, %swap3A_446] {strides = array<i32>} : memref<40x768xf32, #tpu.memory_space<vmem>>, vector<1x16xf32>,
        %swap3A_448 = vector.shape_cast %swap3A_447 : vector<1x16xf32> to vector<16xf32>
        %swap3A_449 = vector.shape_cast %get3A_444 : vector<16xf32> to vector<1x16xf32>
        tpu.vector_store %arg11[%swap3A_445, %swap3A_446], %swap3A_449 {add = true, strides = array<i32>} : memref<40x768xf32, #tpu.memory_space<vmem>>, vector<1x16xf32>,
        %add3A_450 = arith.constant 0 : i32
        %add3A_451 = arith.addi %add3A_450, %scan3A_99 : i32
        %get3A_452 = arith.index_cast %add3A_451 : i32 to index
        %get3A_453 = arith.constant 512 : index
        %get3A_454 = tpu.vector_load %arg8[%get3A_452, %get3A_453] {strides = array<i32>} : memref<72x768xf32, #tpu.memory_space<vmem>>, vector<1x16xf32>,
        %get3A_455 = vector.shape_cast %get3A_454 : vector<1x16xf32> to vector<16xf32>
        %swap3A_456 = arith.index_cast %scan3A_99 : i32 to index
        %swap3A_457 = arith.constant 512 : index
        %swap3A_458 = tpu.vector_load %arg11[%swap3A_456, %swap3A_457] {strides = array<i32>} : memref<40x768xf32, #tpu.memory_space<vmem>>, vector<1x16xf32>,
        %swap3A_459 = vector.shape_cast %swap3A_458 : vector<1x16xf32> to vector<16xf32>
        %swap3A_460 = vector.shape_cast %get3A_455 : vector<16xf32> to vector<1x16xf32>
        tpu.vector_store %arg11[%swap3A_456, %swap3A_457], %swap3A_460 {add = true, strides = array<i32>} : memref<40x768xf32, #tpu.memory_space<vmem>>, vector<1x16xf32>,
        %add3A_461 = arith.constant 0 : i32
        %add3A_462 = arith.addi %add3A_461, %scan3A_99 : i32
        %get3A_463 = arith.index_cast %add3A_462 : i32 to index
        %get3A_464 = arith.constant 528 : index
        %get3A_465 = tpu.vector_load %arg8[%get3A_463, %get3A_464] {strides = array<i32>} : memref<72x768xf32, #tpu.memory_space<vmem>>, vector<1x16xf32>,
        %get3A_466 = vector.shape_cast %get3A_465 : vector<1x16xf32> to vector<16xf32>
        %swap3A_467 = arith.index_cast %scan3A_99 : i32 to index
        %swap3A_468 = arith.constant 528 : index
        %swap3A_469 = tpu.vector_load %arg11[%swap3A_467, %swap3A_468] {strides = array<i32>} : memref<40x768xf32, #tpu.memory_space<vmem>>, vector<1x16xf32>,
        %swap3A_470 = vector.shape_cast %swap3A_469 : vector<1x16xf32> to vector<16xf32>
        %swap3A_471 = vector.shape_cast %get3A_466 : vector<16xf32> to vector<1x16xf32>
        tpu.vector_store %arg11[%swap3A_467, %swap3A_468], %swap3A_471 {add = true, strides = array<i32>} : memref<40x768xf32, #tpu.memory_space<vmem>>, vector<1x16xf32>,
        %add3A_472 = arith.constant 0 : i32
        %add3A_473 = arith.addi %add3A_472, %scan3A_99 : i32
        %get3A_474 = arith.index_cast %add3A_473 : i32 to index
        %get3A_475 = arith.constant 544 : index
        %get3A_476 = tpu.vector_load %arg8[%get3A_474, %get3A_475] {strides = array<i32>} : memref<72x768xf32, #tpu.memory_space<vmem>>, vector<1x16xf32>,
        %get3A_477 = vector.shape_cast %get3A_476 : vector<1x16xf32> to vector<16xf32>
        %swap3A_478 = arith.index_cast %scan3A_99 : i32 to index
        %swap3A_479 = arith.constant 544 : index
        %swap3A_480 = tpu.vector_load %arg11[%swap3A_478, %swap3A_479] {strides = array<i32>} : memref<40x768xf32, #tpu.memory_space<vmem>>, vector<1x16xf32>,
        %swap3A_481 = vector.shape_cast %swap3A_480 : vector<1x16xf32> to vector<16xf32>
        %swap3A_482 = vector.shape_cast %get3A_477 : vector<16xf32> to vector<1x16xf32>
        tpu.vector_store %arg11[%swap3A_478, %swap3A_479], %swap3A_482 {add = true, strides = array<i32>} : memref<40x768xf32, #tpu.memory_space<vmem>>, vector<1x16xf32>,
        %add3A_483 = arith.constant 0 : i32
        %add3A_484 = arith.addi %add3A_483, %scan3A_99 : i32
        %get3A_485 = arith.index_cast %add3A_484 : i32 to index
        %get3A_486 = arith.constant 560 : index
        %get3A_487 = tpu.vector_load %arg8[%get3A_485, %get3A_486] {strides = array<i32>} : memref<72x768xf32, #tpu.memory_space<vmem>>, vector<1x16xf32>,
        %get3A_488 = vector.shape_cast %get3A_487 : vector<1x16xf32> to vector<16xf32>
        %swap3A_489 = arith.index_cast %scan3A_99 : i32 to index
        %swap3A_490 = arith.constant 560 : index
        %swap3A_491 = tpu.vector_load %arg11[%swap3A_489, %swap3A_490] {strides = array<i32>} : memref<40x768xf32, #tpu.memory_space<vmem>>, vector<1x16xf32>,
        %swap3A_492 = vector.shape_cast %swap3A_491 : vector<1x16xf32> to vector<16xf32>
        %swap3A_493 = vector.shape_cast %get3A_488 : vector<16xf32> to vector<1x16xf32>
        tpu.vector_store %arg11[%swap3A_489, %swap3A_490], %swap3A_493 {add = true, strides = array<i32>} : memref<40x768xf32, #tpu.memory_space<vmem>>, vector<1x16xf32>,
        %add3A_494 = arith.constant 0 : i32
        %add3A_495 = arith.addi %add3A_494, %scan3A_99 : i32
        %get3A_496 = arith.index_cast %add3A_495 : i32 to index
        %get3A_497 = arith.constant 576 : index
        %get3A_498 = tpu.vector_load %arg8[%get3A_496, %get3A_497] {strides = array<i32>} : memref<72x768xf32, #tpu.memory_space<vmem>>, vector<1x16xf32>,
        %get3A_499 = vector.shape_cast %get3A_498 : vector<1x16xf32> to vector<16xf32>
        %swap3A_500 = arith.index_cast %scan3A_99 : i32 to index
        %swap3A_501 = arith.constant 576 : index
        %swap3A_502 = tpu.vector_load %arg11[%swap3A_500, %swap3A_501] {strides = array<i32>} : memref<40x768xf32, #tpu.memory_space<vmem>>, vector<1x16xf32>,
        %swap3A_503 = vector.shape_cast %swap3A_502 : vector<1x16xf32> to vector<16xf32>
        %swap3A_504 = vector.shape_cast %get3A_499 : vector<16xf32> to vector<1x16xf32>
        tpu.vector_store %arg11[%swap3A_500, %swap3A_501], %swap3A_504 {add = true, strides = array<i32>} : memref<40x768xf32, #tpu.memory_space<vmem>>, vector<1x16xf32>,
        %add3A_505 = arith.constant 0 : i32
        %add3A_506 = arith.addi %add3A_505, %scan3A_99 : i32
        %get3A_507 = arith.index_cast %add3A_506 : i32 to index
        %get3A_508 = arith.constant 592 : index
        %get3A_509 = tpu.vector_load %arg8[%get3A_507, %get3A_508] {strides = array<i32>} : memref<72x768xf32, #tpu.memory_space<vmem>>, vector<1x16xf32>,
        %get3A_510 = vector.shape_cast %get3A_509 : vector<1x16xf32> to vector<16xf32>
        %swap3A_511 = arith.index_cast %scan3A_99 : i32 to index
        %swap3A_512 = arith.constant 592 : index
        %swap3A_513 = tpu.vector_load %arg11[%swap3A_511, %swap3A_512] {strides = array<i32>} : memref<40x768xf32, #tpu.memory_space<vmem>>, vector<1x16xf32>,
        %swap3A_514 = vector.shape_cast %swap3A_513 : vector<1x16xf32> to vector<16xf32>
        %swap3A_515 = vector.shape_cast %get3A_510 : vector<16xf32> to vector<1x16xf32>
        tpu.vector_store %arg11[%swap3A_511, %swap3A_512], %swap3A_515 {add = true, strides = array<i32>} : memref<40x768xf32, #tpu.memory_space<vmem>>, vector<1x16xf32>,
        %add3A_516 = arith.constant 0 : i32
        %add3A_517 = arith.addi %add3A_516, %scan3A_99 : i32
        %get3A_518 = arith.index_cast %add3A_517 : i32 to index
        %get3A_519 = arith.constant 608 : index
        %get3A_520 = tpu.vector_load %arg8[%get3A_518, %get3A_519] {strides = array<i32>} : memref<72x768xf32, #tpu.memory_space<vmem>>, vector<1x16xf32>,
        %get3A_521 = vector.shape_cast %get3A_520 : vector<1x16xf32> to vector<16xf32>
        %swap3A_522 = arith.index_cast %scan3A_99 : i32 to index
        %swap3A_523 = arith.constant 608 : index
        %swap3A_524 = tpu.vector_load %arg11[%swap3A_522, %swap3A_523] {strides = array<i32>} : memref<40x768xf32, #tpu.memory_space<vmem>>, vector<1x16xf32>,
        %swap3A_525 = vector.shape_cast %swap3A_524 : vector<1x16xf32> to vector<16xf32>
        %swap3A_526 = vector.shape_cast %get3A_521 : vector<16xf32> to vector<1x16xf32>
        tpu.vector_store %arg11[%swap3A_522, %swap3A_523], %swap3A_526 {add = true, strides = array<i32>} : memref<40x768xf32, #tpu.memory_space<vmem>>, vector<1x16xf32>,
        %add3A_527 = arith.constant 0 : i32
        %add3A_528 = arith.addi %add3A_527, %scan3A_99 : i32
        %get3A_529 = arith.index_cast %add3A_528 : i32 to index
        %get3A_530 = arith.constant 624 : index
        %get3A_531 = tpu.vector_load %arg8[%get3A_529, %get3A_530] {strides = array<i32>} : memref<72x768xf32, #tpu.memory_space<vmem>>, vector<1x16xf32>,
        %get3A_532 = vector.shape_cast %get3A_531 : vector<1x16xf32> to vector<16xf32>
        %swap3A_533 = arith.index_cast %scan3A_99 : i32 to index
        %swap3A_534 = arith.constant 624 : index
        %swap3A_535 = tpu.vector_load %arg11[%swap3A_533, %swap3A_534] {strides = array<i32>} : memref<40x768xf32, #tpu.memory_space<vmem>>, vector<1x16xf32>,
        %swap3A_536 = vector.shape_cast %swap3A_535 : vector<1x16xf32> to vector<16xf32>
        %swap3A_537 = vector.shape_cast %get3A_532 : vector<16xf32> to vector<1x16xf32>
        tpu.vector_store %arg11[%swap3A_533, %swap3A_534], %swap3A_537 {add = true, strides = array<i32>} : memref<40x768xf32, #tpu.memory_space<vmem>>, vector<1x16xf32>,
        %add3A_538 = arith.constant 0 : i32
        %add3A_539 = arith.addi %add3A_538, %scan3A_99 : i32
        %get3A_540 = arith.index_cast %add3A_539 : i32 to index
        %get3A_541 = arith.constant 640 : index
        %get3A_542 = tpu.vector_load %arg8[%get3A_540, %get3A_541] {strides = array<i32>} : memref<72x768xf32, #tpu.memory_space<vmem>>, vector<1x16xf32>,
        %get3A_543 = vector.shape_cast %get3A_542 : vector<1x16xf32> to vector<16xf32>
        %swap3A_544 = arith.index_cast %scan3A_99 : i32 to index
        %swap3A_545 = arith.constant 640 : index
        %swap3A_546 = tpu.vector_load %arg11[%swap3A_544, %swap3A_545] {strides = array<i32>} : memref<40x768xf32, #tpu.memory_space<vmem>>, vector<1x16xf32>,
        %swap3A_547 = vector.shape_cast %swap3A_546 : vector<1x16xf32> to vector<16xf32>
        %swap3A_548 = vector.shape_cast %get3A_543 : vector<16xf32> to vector<1x16xf32>
        tpu.vector_store %arg11[%swap3A_544, %swap3A_545], %swap3A_548 {add = true, strides = array<i32>} : memref<40x768xf32, #tpu.memory_space<vmem>>, vector<1x16xf32>,
        %add3A_549 = arith.constant 0 : i32
        %add3A_550 = arith.addi %add3A_549, %scan3A_99 : i32
        %get3A_551 = arith.index_cast %add3A_550 : i32 to index
        %get3A_552 = arith.constant 656 : index
        %get3A_553 = tpu.vector_load %arg8[%get3A_551, %get3A_552] {strides = array<i32>} : memref<72x768xf32, #tpu.memory_space<vmem>>, vector<1x16xf32>,
        %get3A_554 = vector.shape_cast %get3A_553 : vector<1x16xf32> to vector<16xf32>
        %swap3A_555 = arith.index_cast %scan3A_99 : i32 to index
        %swap3A_556 = arith.constant 656 : index
        %swap3A_557 = tpu.vector_load %arg11[%swap3A_555, %swap3A_556] {strides = array<i32>} : memref<40x768xf32, #tpu.memory_space<vmem>>, vector<1x16xf32>,
        %swap3A_558 = vector.shape_cast %swap3A_557 : vector<1x16xf32> to vector<16xf32>
        %swap3A_559 = vector.shape_cast %get3A_554 : vector<16xf32> to vector<1x16xf32>
        tpu.vector_store %arg11[%swap3A_555, %swap3A_556], %swap3A_559 {add = true, strides = array<i32>} : memref<40x768xf32, #tpu.memory_space<vmem>>, vector<1x16xf32>,
        %add3A_560 = arith.constant 0 : i32
        %add3A_561 = arith.addi %add3A_560, %scan3A_99 : i32
        %get3A_562 = arith.index_cast %add3A_561 : i32 to index
        %get3A_563 = arith.constant 672 : index
        %get3A_564 = tpu.vector_load %arg8[%get3A_562, %get3A_563] {strides = array<i32>} : memref<72x768xf32, #tpu.memory_space<vmem>>, vector<1x16xf32>,
        %get3A_565 = vector.shape_cast %get3A_564 : vector<1x16xf32> to vector<16xf32>
        %swap3A_566 = arith.index_cast %scan3A_99 : i32 to index
        %swap3A_567 = arith.constant 672 : index
        %swap3A_568 = tpu.vector_load %arg11[%swap3A_566, %swap3A_567] {strides = array<i32>} : memref<40x768xf32, #tpu.memory_space<vmem>>, vector<1x16xf32>,
        %swap3A_569 = vector.shape_cast %swap3A_568 : vector<1x16xf32> to vector<16xf32>
        %swap3A_570 = vector.shape_cast %get3A_565 : vector<16xf32> to vector<1x16xf32>
        tpu.vector_store %arg11[%swap3A_566, %swap3A_567], %swap3A_570 {add = true, strides = array<i32>} : memref<40x768xf32, #tpu.memory_space<vmem>>, vector<1x16xf32>,
        %add3A_571 = arith.constant 0 : i32
        %add3A_572 = arith.addi %add3A_571, %scan3A_99 : i32
        %get3A_573 = arith.index_cast %add3A_572 : i32 to index
        %get3A_574 = arith.constant 688 : index
        %get3A_575 = tpu.vector_load %arg8[%get3A_573, %get3A_574] {strides = array<i32>} : memref<72x768xf32, #tpu.memory_space<vmem>>, vector<1x16xf32>,
        %get3A_576 = vector.shape_cast %get3A_575 : vector<1x16xf32> to vector<16xf32>
        %swap3A_577 = arith.index_cast %scan3A_99 : i32 to index
        %swap3A_578 = arith.constant 688 : index
        %swap3A_579 = tpu.vector_load %arg11[%swap3A_577, %swap3A_578] {strides = array<i32>} : memref<40x768xf32, #tpu.memory_space<vmem>>, vector<1x16xf32>,
        %swap3A_580 = vector.shape_cast %swap3A_579 : vector<1x16xf32> to vector<16xf32>
        %swap3A_581 = vector.shape_cast %get3A_576 : vector<16xf32> to vector<1x16xf32>
        tpu.vector_store %arg11[%swap3A_577, %swap3A_578], %swap3A_581 {add = true, strides = array<i32>} : memref<40x768xf32, #tpu.memory_space<vmem>>, vector<1x16xf32>,
        %add3A_582 = arith.constant 0 : i32
        %add3A_583 = arith.addi %add3A_582, %scan3A_99 : i32
        %get3A_584 = arith.index_cast %add3A_583 : i32 to index
        %get3A_585 = arith.constant 704 : index
        %get3A_586 = tpu.vector_load %arg8[%get3A_584, %get3A_585] {strides = array<i32>} : memref<72x768xf32, #tpu.memory_space<vmem>>, vector<1x16xf32>,
        %get3A_587 = vector.shape_cast %get3A_586 : vector<1x16xf32> to vector<16xf32>
        %swap3A_588 = arith.index_cast %scan3A_99 : i32 to index
        %swap3A_589 = arith.constant 704 : index
        %swap3A_590 = tpu.vector_load %arg11[%swap3A_588, %swap3A_589] {strides = array<i32>} : memref<40x768xf32, #tpu.memory_space<vmem>>, vector<1x16xf32>,
        %swap3A_591 = vector.shape_cast %swap3A_590 : vector<1x16xf32> to vector<16xf32>
        %swap3A_592 = vector.shape_cast %get3A_587 : vector<16xf32> to vector<1x16xf32>
        tpu.vector_store %arg11[%swap3A_588, %swap3A_589], %swap3A_592 {add = true, strides = array<i32>} : memref<40x768xf32, #tpu.memory_space<vmem>>, vector<1x16xf32>,
        %add3A_593 = arith.constant 0 : i32
        %add3A_594 = arith.addi %add3A_593, %scan3A_99 : i32
        %get3A_595 = arith.index_cast %add3A_594 : i32 to index
        %get3A_596 = arith.constant 720 : index
        %get3A_597 = tpu.vector_load %arg8[%get3A_595, %get3A_596] {strides = array<i32>} : memref<72x768xf32, #tpu.memory_space<vmem>>, vector<1x16xf32>,
        %get3A_598 = vector.shape_cast %get3A_597 : vector<1x16xf32> to vector<16xf32>
        %swap3A_599 = arith.index_cast %scan3A_99 : i32 to index
        %swap3A_600 = arith.constant 720 : index
        %swap3A_601 = tpu.vector_load %arg11[%swap3A_599, %swap3A_600] {strides = array<i32>} : memref<40x768xf32, #tpu.memory_space<vmem>>, vector<1x16xf32>,
        %swap3A_602 = vector.shape_cast %swap3A_601 : vector<1x16xf32> to vector<16xf32>
        %swap3A_603 = vector.shape_cast %get3A_598 : vector<16xf32> to vector<1x16xf32>
        tpu.vector_store %arg11[%swap3A_599, %swap3A_600], %swap3A_603 {add = true, strides = array<i32>} : memref<40x768xf32, #tpu.memory_space<vmem>>, vector<1x16xf32>,
        %add3A_604 = arith.constant 0 : i32
        %add3A_605 = arith.addi %add3A_604, %scan3A_99 : i32
        %get3A_606 = arith.index_cast %add3A_605 : i32 to index
        %get3A_607 = arith.constant 736 : index
        %get3A_608 = tpu.vector_load %arg8[%get3A_606, %get3A_607] {strides = array<i32>} : memref<72x768xf32, #tpu.memory_space<vmem>>, vector<1x16xf32>,
        %get3A_609 = vector.shape_cast %get3A_608 : vector<1x16xf32> to vector<16xf32>
        %swap3A_610 = arith.index_cast %scan3A_99 : i32 to index
        %swap3A_611 = arith.constant 736 : index
        %swap3A_612 = tpu.vector_load %arg11[%swap3A_610, %swap3A_611] {strides = array<i32>} : memref<40x768xf32, #tpu.memory_space<vmem>>, vector<1x16xf32>,
        %swap3A_613 = vector.shape_cast %swap3A_612 : vector<1x16xf32> to vector<16xf32>
        %swap3A_614 = vector.shape_cast %get3A_609 : vector<16xf32> to vector<1x16xf32>
        tpu.vector_store %arg11[%swap3A_610, %swap3A_611], %swap3A_614 {add = true, strides = array<i32>} : memref<40x768xf32, #tpu.memory_space<vmem>>, vector<1x16xf32>,
        %add3A_615 = arith.constant 0 : i32
        %add3A_616 = arith.addi %add3A_615, %scan3A_99 : i32
        %get3A_617 = arith.index_cast %add3A_616 : i32 to index
        %get3A_618 = arith.constant 752 : index
        %get3A_619 = tpu.vector_load %arg8[%get3A_617, %get3A_618] {strides = array<i32>} : memref<72x768xf32, #tpu.memory_space<vmem>>, vector<1x16xf32>,
        %get3A_620 = vector.shape_cast %get3A_619 : vector<1x16xf32> to vector<16xf32>
        %swap3A_621 = arith.index_cast %scan3A_99 : i32 to index
        %swap3A_622 = arith.constant 752 : index
        %swap3A_623 = tpu.vector_load %arg11[%swap3A_621, %swap3A_622] {strides = array<i32>} : memref<40x768xf32, #tpu.memory_space<vmem>>, vector<1x16xf32>,
        %swap3A_624 = vector.shape_cast %swap3A_623 : vector<1x16xf32> to vector<16xf32>
        %swap3A_625 = vector.shape_cast %get3A_620 : vector<16xf32> to vector<1x16xf32>
        tpu.vector_store %arg11[%swap3A_621, %swap3A_622], %swap3A_625 {add = true, strides = array<i32>} : memref<40x768xf32, #tpu.memory_space<vmem>>, vector<1x16xf32>,
      }
      %scan3A_60 = arith.constant 40 : i32
      %dma_start3A_61 = arith.constant 0 : i32
      %dma_start3A_62 = arith.constant 0 : i32
      %dma_start3A_63 = tpu.memref_slice %arg6[%add3A_35, %dma_start3A_61, %dma_start3A_62] : memref<1024x77x768xf32, #tpu.memory_space<hbm>> -> memref<1x40x768xf32, #tpu.memory_space<hbm>>
      %dma_start3A_64 = tpu.memref_squeeze %dma_start3A_63 : memref<1x40x768xf32, #tpu.memory_space<hbm>> -> memref<40x768xf32, #tpu.memory_space<hbm>>
      %dma_start3A_65 = arith.constant 0 : i32
      %dma_start3A_66 = arith.constant 0 : i32
      %dma_start3A_67 = tpu.memref_slice %arg6[%add3A_35, %dma_start3A_65, %dma_start3A_66] : memref<1024x77x768xf32, #tpu.memory_space<hbm>> -> memref<1x40x768xf32, #tpu.memory_space<hbm>>
      %dma_start3A_68 = tpu.memref_squeeze %dma_start3A_67 : memref<1x40x768xf32, #tpu.memory_space<hbm>> -> memref<40x768xf32, #tpu.memory_space<hbm>>
      tpu.enqueue_dma source(%arg11 : memref<40x768xf32, #tpu.memory_space<vmem>>) target(%dma_start3A_68 : memref<40x768xf32, #tpu.memory_space<hbm>>) target_semaphore(%arg17 : memref<!tpu.dma_semaphore, #tpu.memory_space<semaphore_mem>>)
      %dma_wait3A_69 = arith.constant 40 : i32
      %dma_wait3A_70 = tpu.memref_slice %arg9[%dma_wait3A_69] : memref<77xi32, #tpu.memory_space<vmem>> -> memref<32xi32, #tpu.memory_space<vmem>>
      %dma_wait3A_71 = arith.constant 0 : i32
      %dma_wait3A_72 = arith.constant 0 : i32
      %dma_wait3A_73 = tpu.memref_slice %arg4[%dma_wait3A_71, %dma_wait3A_72] : memref<49408x768xf32, #tpu.memory_space<hbm>> -> memref<49408x768xf32, #tpu.memory_space<hbm>>
      tpu.wait_indirect_dma semaphore(%arg15 : memref<!tpu.dma_semaphore, #tpu.memory_space<semaphore_mem>>) src(%dma_wait3A_73 : memref<49408x768xf32, #tpu.memory_space<hbm>>) dst(%arg12 : memref<32x768xf32, #tpu.memory_space<vmem>>)
      %scan3A_74 = arith.constant 0 : i32
      %scan3A_75 = arith.constant 0 : i32
      %scan3A_76 = arith.constant 32 : i32
      %scan3A_77 = arith.addi %scan3A_75, %scan3A_76 : i32
      %scan3A_78 = arith.constant 1 : i32
      scf.for %scan3A_99 = %scan3A_75 to %scan3A_77 step %scan3A_78  : i32 {
        %add3A_100 = arith.constant 40 : i32
        %add3A_101 = arith.addi %add3A_100, %scan3A_99 : i32
        %get3A = arith.index_cast %add3A_101 : i32 to index
        %get3A_102 = arith.constant 0 : index
        %get3A_103 = tpu.vector_load %arg8[%get3A, %get3A_102] {strides = array<i32>} : memref<72x768xf32, #tpu.memory_space<vmem>>, vector<1x16xf32>,
        %get3A_104 = vector.shape_cast %get3A_103 : vector<1x16xf32> to vector<16xf32>
        %swap3A = arith.index_cast %scan3A_99 : i32 to index
        %swap3A_105 = arith.constant 0 : index
        %swap3A_106 = tpu.vector_load %arg12[%swap3A, %swap3A_105] {strides = array<i32>} : memref<32x768xf32, #tpu.memory_space<vmem>>, vector<1x16xf32>,
        %swap3A_107 = vector.shape_cast %swap3A_106 : vector<1x16xf32> to vector<16xf32>
        %swap3A_108 = vector.shape_cast %get3A_104 : vector<16xf32> to vector<1x16xf32>
        tpu.vector_store %arg12[%swap3A, %swap3A_105], %swap3A_108 {add = true, strides = array<i32>} : memref<32x768xf32, #tpu.memory_space<vmem>>, vector<1x16xf32>,
        %add3A_109 = arith.constant 40 : i32
        %add3A_110 = arith.addi %add3A_109, %scan3A_99 : i32
        %get3A_111 = arith.index_cast %add3A_110 : i32 to index
        %get3A_112 = arith.constant 16 : index
        %get3A_113 = tpu.vector_load %arg8[%get3A_111, %get3A_112] {strides = array<i32>} : memref<72x768xf32, #tpu.memory_space<vmem>>, vector<1x16xf32>,
        %get3A_114 = vector.shape_cast %get3A_113 : vector<1x16xf32> to vector<16xf32>
        %swap3A_115 = arith.index_cast %scan3A_99 : i32 to index
        %swap3A_116 = arith.constant 16 : index
        %swap3A_117 = tpu.vector_load %arg12[%swap3A_115, %swap3A_116] {strides = array<i32>} : memref<32x768xf32, #tpu.memory_space<vmem>>, vector<1x16xf32>,
        %swap3A_118 = vector.shape_cast %swap3A_117 : vector<1x16xf32> to vector<16xf32>
        %swap3A_119 = vector.shape_cast %get3A_114 : vector<16xf32> to vector<1x16xf32>
        tpu.vector_store %arg12[%swap3A_115, %swap3A_116], %swap3A_119 {add = true, strides = array<i32>} : memref<32x768xf32, #tpu.memory_space<vmem>>, vector<1x16xf32>,
        %add3A_120 = arith.constant 40 : i32
        %add3A_121 = arith.addi %add3A_120, %scan3A_99 : i32
        %get3A_122 = arith.index_cast %add3A_121 : i32 to index
        %get3A_123 = arith.constant 32 : index
        %get3A_124 = tpu.vector_load %arg8[%get3A_122, %get3A_123] {strides = array<i32>} : memref<72x768xf32, #tpu.memory_space<vmem>>, vector<1x16xf32>,
        %get3A_125 = vector.shape_cast %get3A_124 : vector<1x16xf32> to vector<16xf32>
        %swap3A_126 = arith.index_cast %scan3A_99 : i32 to index
        %swap3A_127 = arith.constant 32 : index
        %swap3A_128 = tpu.vector_load %arg12[%swap3A_126, %swap3A_127] {strides = array<i32>} : memref<32x768xf32, #tpu.memory_space<vmem>>, vector<1x16xf32>,
        %swap3A_129 = vector.shape_cast %swap3A_128 : vector<1x16xf32> to vector<16xf32>
        %swap3A_130 = vector.shape_cast %get3A_125 : vector<16xf32> to vector<1x16xf32>
        tpu.vector_store %arg12[%swap3A_126, %swap3A_127], %swap3A_130 {add = true, strides = array<i32>} : memref<32x768xf32, #tpu.memory_space<vmem>>, vector<1x16xf32>,
        %add3A_131 = arith.constant 40 : i32
        %add3A_132 = arith.addi %add3A_131, %scan3A_99 : i32
        %get3A_133 = arith.index_cast %add3A_132 : i32 to index
        %get3A_134 = arith.constant 48 : index
        %get3A_135 = tpu.vector_load %arg8[%get3A_133, %get3A_134] {strides = array<i32>} : memref<72x768xf32, #tpu.memory_space<vmem>>, vector<1x16xf32>,
        %get3A_136 = vector.shape_cast %get3A_135 : vector<1x16xf32> to vector<16xf32>
        %swap3A_137 = arith.index_cast %scan3A_99 : i32 to index
        %swap3A_138 = arith.constant 48 : index
        %swap3A_139 = tpu.vector_load %arg12[%swap3A_137, %swap3A_138] {strides = array<i32>} : memref<32x768xf32, #tpu.memory_space<vmem>>, vector<1x16xf32>,
        %swap3A_140 = vector.shape_cast %swap3A_139 : vector<1x16xf32> to vector<16xf32>
        %swap3A_141 = vector.shape_cast %get3A_136 : vector<16xf32> to vector<1x16xf32>
        tpu.vector_store %arg12[%swap3A_137, %swap3A_138], %swap3A_141 {add = true, strides = array<i32>} : memref<32x768xf32, #tpu.memory_space<vmem>>, vector<1x16xf32>,
        %add3A_142 = arith.constant 40 : i32
        %add3A_143 = arith.addi %add3A_142, %scan3A_99 : i32
        %get3A_144 = arith.index_cast %add3A_143 : i32 to index
        %get3A_145 = arith.constant 64 : index
        %get3A_146 = tpu.vector_load %arg8[%get3A_144, %get3A_145] {strides = array<i32>} : memref<72x768xf32, #tpu.memory_space<vmem>>, vector<1x16xf32>,
        %get3A_147 = vector.shape_cast %get3A_146 : vector<1x16xf32> to vector<16xf32>
        %swap3A_148 = arith.index_cast %scan3A_99 : i32 to index
        %swap3A_149 = arith.constant 64 : index
        %swap3A_150 = tpu.vector_load %arg12[%swap3A_148, %swap3A_149] {strides = array<i32>} : memref<32x768xf32, #tpu.memory_space<vmem>>, vector<1x16xf32>,
        %swap3A_151 = vector.shape_cast %swap3A_150 : vector<1x16xf32> to vector<16xf32>
        %swap3A_152 = vector.shape_cast %get3A_147 : vector<16xf32> to vector<1x16xf32>
        tpu.vector_store %arg12[%swap3A_148, %swap3A_149], %swap3A_152 {add = true, strides = array<i32>} : memref<32x768xf32, #tpu.memory_space<vmem>>, vector<1x16xf32>,
        %add3A_153 = arith.constant 40 : i32
        %add3A_154 = arith.addi %add3A_153, %scan3A_99 : i32
        %get3A_155 = arith.index_cast %add3A_154 : i32 to index
        %get3A_156 = arith.constant 80 : index
        %get3A_157 = tpu.vector_load %arg8[%get3A_155, %get3A_156] {strides = array<i32>} : memref<72x768xf32, #tpu.memory_space<vmem>>, vector<1x16xf32>,
        %get3A_158 = vector.shape_cast %get3A_157 : vector<1x16xf32> to vector<16xf32>
        %swap3A_159 = arith.index_cast %scan3A_99 : i32 to index
        %swap3A_160 = arith.constant 80 : index
        %swap3A_161 = tpu.vector_load %arg12[%swap3A_159, %swap3A_160] {strides = array<i32>} : memref<32x768xf32, #tpu.memory_space<vmem>>, vector<1x16xf32>,
        %swap3A_162 = vector.shape_cast %swap3A_161 : vector<1x16xf32> to vector<16xf32>
        %swap3A_163 = vector.shape_cast %get3A_158 : vector<16xf32> to vector<1x16xf32>
        tpu.vector_store %arg12[%swap3A_159, %swap3A_160], %swap3A_163 {add = true, strides = array<i32>} : memref<32x768xf32, #tpu.memory_space<vmem>>, vector<1x16xf32>,
        %add3A_164 = arith.constant 40 : i32
        %add3A_165 = arith.addi %add3A_164, %scan3A_99 : i32
        %get3A_166 = arith.index_cast %add3A_165 : i32 to index
        %get3A_167 = arith.constant 96 : index
        %get3A_168 = tpu.vector_load %arg8[%get3A_166, %get3A_167] {strides = array<i32>} : memref<72x768xf32, #tpu.memory_space<vmem>>, vector<1x16xf32>,
        %get3A_169 = vector.shape_cast %get3A_168 : vector<1x16xf32> to vector<16xf32>
        %swap3A_170 = arith.index_cast %scan3A_99 : i32 to index
        %swap3A_171 = arith.constant 96 : index
        %swap3A_172 = tpu.vector_load %arg12[%swap3A_170, %swap3A_171] {strides = array<i32>} : memref<32x768xf32, #tpu.memory_space<vmem>>, vector<1x16xf32>,
        %swap3A_173 = vector.shape_cast %swap3A_172 : vector<1x16xf32> to vector<16xf32>
        %swap3A_174 = vector.shape_cast %get3A_169 : vector<16xf32> to vector<1x16xf32>
        tpu.vector_store %arg12[%swap3A_170, %swap3A_171], %swap3A_174 {add = true, strides = array<i32>} : memref<32x768xf32, #tpu.memory_space<vmem>>, vector<1x16xf32>,
        %add3A_175 = arith.constant 40 : i32
        %add3A_176 = arith.addi %add3A_175, %scan3A_99 : i32
        %get3A_177 = arith.index_cast %add3A_176 : i32 to index
        %get3A_178 = arith.constant 112 : index
        %get3A_179 = tpu.vector_load %arg8[%get3A_177, %get3A_178] {strides = array<i32>} : memref<72x768xf32, #tpu.memory_space<vmem>>, vector<1x16xf32>,
        %get3A_180 = vector.shape_cast %get3A_179 : vector<1x16xf32> to vector<16xf32>
        %swap3A_181 = arith.index_cast %scan3A_99 : i32 to index
        %swap3A_182 = arith.constant 112 : index
        %swap3A_183 = tpu.vector_load %arg12[%swap3A_181, %swap3A_182] {strides = array<i32>} : memref<32x768xf32, #tpu.memory_space<vmem>>, vector<1x16xf32>,
        %swap3A_184 = vector.shape_cast %swap3A_183 : vector<1x16xf32> to vector<16xf32>
        %swap3A_185 = vector.shape_cast %get3A_180 : vector<16xf32> to vector<1x16xf32>
        tpu.vector_store %arg12[%swap3A_181, %swap3A_182], %swap3A_185 {add = true, strides = array<i32>} : memref<32x768xf32, #tpu.memory_space<vmem>>, vector<1x16xf32>,
        %add3A_186 = arith.constant 40 : i32
        %add3A_187 = arith.addi %add3A_186, %scan3A_99 : i32
        %get3A_188 = arith.index_cast %add3A_187 : i32 to index
        %get3A_189 = arith.constant 128 : index
        %get3A_190 = tpu.vector_load %arg8[%get3A_188, %get3A_189] {strides = array<i32>} : memref<72x768xf32, #tpu.memory_space<vmem>>, vector<1x16xf32>,
        %get3A_191 = vector.shape_cast %get3A_190 : vector<1x16xf32> to vector<16xf32>
        %swap3A_192 = arith.index_cast %scan3A_99 : i32 to index
        %swap3A_193 = arith.constant 128 : index
        %swap3A_194 = tpu.vector_load %arg12[%swap3A_192, %swap3A_193] {strides = array<i32>} : memref<32x768xf32, #tpu.memory_space<vmem>>, vector<1x16xf32>,
        %swap3A_195 = vector.shape_cast %swap3A_194 : vector<1x16xf32> to vector<16xf32>
        %swap3A_196 = vector.shape_cast %get3A_191 : vector<16xf32> to vector<1x16xf32>
        tpu.vector_store %arg12[%swap3A_192, %swap3A_193], %swap3A_196 {add = true, strides = array<i32>} : memref<32x768xf32, #tpu.memory_space<vmem>>, vector<1x16xf32>,
        %add3A_197 = arith.constant 40 : i32
        %add3A_198 = arith.addi %add3A_197, %scan3A_99 : i32
        %get3A_199 = arith.index_cast %add3A_198 : i32 to index
        %get3A_200 = arith.constant 144 : index
        %get3A_201 = tpu.vector_load %arg8[%get3A_199, %get3A_200] {strides = array<i32>} : memref<72x768xf32, #tpu.memory_space<vmem>>, vector<1x16xf32>,
        %get3A_202 = vector.shape_cast %get3A_201 : vector<1x16xf32> to vector<16xf32>
        %swap3A_203 = arith.index_cast %scan3A_99 : i32 to index
        %swap3A_204 = arith.constant 144 : index
        %swap3A_205 = tpu.vector_load %arg12[%swap3A_203, %swap3A_204] {strides = array<i32>} : memref<32x768xf32, #tpu.memory_space<vmem>>, vector<1x16xf32>,
        %swap3A_206 = vector.shape_cast %swap3A_205 : vector<1x16xf32> to vector<16xf32>
        %swap3A_207 = vector.shape_cast %get3A_202 : vector<16xf32> to vector<1x16xf32>
        tpu.vector_store %arg12[%swap3A_203, %swap3A_204], %swap3A_207 {add = true, strides = array<i32>} : memref<32x768xf32, #tpu.memory_space<vmem>>, vector<1x16xf32>,
        %add3A_208 = arith.constant 40 : i32
        %add3A_209 = arith.addi %add3A_208, %scan3A_99 : i32
        %get3A_210 = arith.index_cast %add3A_209 : i32 to index
        %get3A_211 = arith.constant 160 : index
        %get3A_212 = tpu.vector_load %arg8[%get3A_210, %get3A_211] {strides = array<i32>} : memref<72x768xf32, #tpu.memory_space<vmem>>, vector<1x16xf32>,
        %get3A_213 = vector.shape_cast %get3A_212 : vector<1x16xf32> to vector<16xf32>
        %swap3A_214 = arith.index_cast %scan3A_99 : i32 to index
        %swap3A_215 = arith.constant 160 : index
        %swap3A_216 = tpu.vector_load %arg12[%swap3A_214, %swap3A_215] {strides = array<i32>} : memref<32x768xf32, #tpu.memory_space<vmem>>, vector<1x16xf32>,
        %swap3A_217 = vector.shape_cast %swap3A_216 : vector<1x16xf32> to vector<16xf32>
        %swap3A_218 = vector.shape_cast %get3A_213 : vector<16xf32> to vector<1x16xf32>
        tpu.vector_store %arg12[%swap3A_214, %swap3A_215], %swap3A_218 {add = true, strides = array<i32>} : memref<32x768xf32, #tpu.memory_space<vmem>>, vector<1x16xf32>,
        %add3A_219 = arith.constant 40 : i32
        %add3A_220 = arith.addi %add3A_219, %scan3A_99 : i32
        %get3A_221 = arith.index_cast %add3A_220 : i32 to index
        %get3A_222 = arith.constant 176 : index
        %get3A_223 = tpu.vector_load %arg8[%get3A_221, %get3A_222] {strides = array<i32>} : memref<72x768xf32, #tpu.memory_space<vmem>>, vector<1x16xf32>,
        %get3A_224 = vector.shape_cast %get3A_223 : vector<1x16xf32> to vector<16xf32>
        %swap3A_225 = arith.index_cast %scan3A_99 : i32 to index
        %swap3A_226 = arith.constant 176 : index
        %swap3A_227 = tpu.vector_load %arg12[%swap3A_225, %swap3A_226] {strides = array<i32>} : memref<32x768xf32, #tpu.memory_space<vmem>>, vector<1x16xf32>,
        %swap3A_228 = vector.shape_cast %swap3A_227 : vector<1x16xf32> to vector<16xf32>
        %swap3A_229 = vector.shape_cast %get3A_224 : vector<16xf32> to vector<1x16xf32>
        tpu.vector_store %arg12[%swap3A_225, %swap3A_226], %swap3A_229 {add = true, strides = array<i32>} : memref<32x768xf32, #tpu.memory_space<vmem>>, vector<1x16xf32>,
        %add3A_230 = arith.constant 40 : i32
        %add3A_231 = arith.addi %add3A_230, %scan3A_99 : i32
        %get3A_232 = arith.index_cast %add3A_231 : i32 to index
        %get3A_233 = arith.constant 192 : index
        %get3A_234 = tpu.vector_load %arg8[%get3A_232, %get3A_233] {strides = array<i32>} : memref<72x768xf32, #tpu.memory_space<vmem>>, vector<1x16xf32>,
        %get3A_235 = vector.shape_cast %get3A_234 : vector<1x16xf32> to vector<16xf32>
        %swap3A_236 = arith.index_cast %scan3A_99 : i32 to index
        %swap3A_237 = arith.constant 192 : index
        %swap3A_238 = tpu.vector_load %arg12[%swap3A_236, %swap3A_237] {strides = array<i32>} : memref<32x768xf32, #tpu.memory_space<vmem>>, vector<1x16xf32>,
        %swap3A_239 = vector.shape_cast %swap3A_238 : vector<1x16xf32> to vector<16xf32>
        %swap3A_240 = vector.shape_cast %get3A_235 : vector<16xf32> to vector<1x16xf32>
        tpu.vector_store %arg12[%swap3A_236, %swap3A_237], %swap3A_240 {add = true, strides = array<i32>} : memref<32x768xf32, #tpu.memory_space<vmem>>, vector<1x16xf32>,
        %add3A_241 = arith.constant 40 : i32
        %add3A_242 = arith.addi %add3A_241, %scan3A_99 : i32
        %get3A_243 = arith.index_cast %add3A_242 : i32 to index
        %get3A_244 = arith.constant 208 : index
        %get3A_245 = tpu.vector_load %arg8[%get3A_243, %get3A_244] {strides = array<i32>} : memref<72x768xf32, #tpu.memory_space<vmem>>, vector<1x16xf32>,
        %get3A_246 = vector.shape_cast %get3A_245 : vector<1x16xf32> to vector<16xf32>
        %swap3A_247 = arith.index_cast %scan3A_99 : i32 to index
        %swap3A_248 = arith.constant 208 : index
        %swap3A_249 = tpu.vector_load %arg12[%swap3A_247, %swap3A_248] {strides = array<i32>} : memref<32x768xf32, #tpu.memory_space<vmem>>, vector<1x16xf32>,
        %swap3A_250 = vector.shape_cast %swap3A_249 : vector<1x16xf32> to vector<16xf32>
        %swap3A_251 = vector.shape_cast %get3A_246 : vector<16xf32> to vector<1x16xf32>
        tpu.vector_store %arg12[%swap3A_247, %swap3A_248], %swap3A_251 {add = true, strides = array<i32>} : memref<32x768xf32, #tpu.memory_space<vmem>>, vector<1x16xf32>,
        %add3A_252 = arith.constant 40 : i32
        %add3A_253 = arith.addi %add3A_252, %scan3A_99 : i32
        %get3A_254 = arith.index_cast %add3A_253 : i32 to index
        %get3A_255 = arith.constant 224 : index
        %get3A_256 = tpu.vector_load %arg8[%get3A_254, %get3A_255] {strides = array<i32>} : memref<72x768xf32, #tpu.memory_space<vmem>>, vector<1x16xf32>,
        %get3A_257 = vector.shape_cast %get3A_256 : vector<1x16xf32> to vector<16xf32>
        %swap3A_258 = arith.index_cast %scan3A_99 : i32 to index
        %swap3A_259 = arith.constant 224 : index
        %swap3A_260 = tpu.vector_load %arg12[%swap3A_258, %swap3A_259] {strides = array<i32>} : memref<32x768xf32, #tpu.memory_space<vmem>>, vector<1x16xf32>,
        %swap3A_261 = vector.shape_cast %swap3A_260 : vector<1x16xf32> to vector<16xf32>
        %swap3A_262 = vector.shape_cast %get3A_257 : vector<16xf32> to vector<1x16xf32>
        tpu.vector_store %arg12[%swap3A_258, %swap3A_259], %swap3A_262 {add = true, strides = array<i32>} : memref<32x768xf32, #tpu.memory_space<vmem>>, vector<1x16xf32>,
        %add3A_263 = arith.constant 40 : i32
        %add3A_264 = arith.addi %add3A_263, %scan3A_99 : i32
        %get3A_265 = arith.index_cast %add3A_264 : i32 to index
        %get3A_266 = arith.constant 240 : index
        %get3A_267 = tpu.vector_load %arg8[%get3A_265, %get3A_266] {strides = array<i32>} : memref<72x768xf32, #tpu.memory_space<vmem>>, vector<1x16xf32>,
        %get3A_268 = vector.shape_cast %get3A_267 : vector<1x16xf32> to vector<16xf32>
        %swap3A_269 = arith.index_cast %scan3A_99 : i32 to index
        %swap3A_270 = arith.constant 240 : index
        %swap3A_271 = tpu.vector_load %arg12[%swap3A_269, %swap3A_270] {strides = array<i32>} : memref<32x768xf32, #tpu.memory_space<vmem>>, vector<1x16xf32>,
        %swap3A_272 = vector.shape_cast %swap3A_271 : vector<1x16xf32> to vector<16xf32>
        %swap3A_273 = vector.shape_cast %get3A_268 : vector<16xf32> to vector<1x16xf32>
        tpu.vector_store %arg12[%swap3A_269, %swap3A_270], %swap3A_273 {add = true, strides = array<i32>} : memref<32x768xf32, #tpu.memory_space<vmem>>, vector<1x16xf32>,
        %add3A_274 = arith.constant 40 : i32
        %add3A_275 = arith.addi %add3A_274, %scan3A_99 : i32
        %get3A_276 = arith.index_cast %add3A_275 : i32 to index
        %get3A_277 = arith.constant 256 : index
        %get3A_278 = tpu.vector_load %arg8[%get3A_276, %get3A_277] {strides = array<i32>} : memref<72x768xf32, #tpu.memory_space<vmem>>, vector<1x16xf32>,
        %get3A_279 = vector.shape_cast %get3A_278 : vector<1x16xf32> to vector<16xf32>
        %swap3A_280 = arith.index_cast %scan3A_99 : i32 to index
        %swap3A_281 = arith.constant 256 : index
        %swap3A_282 = tpu.vector_load %arg12[%swap3A_280, %swap3A_281] {strides = array<i32>} : memref<32x768xf32, #tpu.memory_space<vmem>>, vector<1x16xf32>,
        %swap3A_283 = vector.shape_cast %swap3A_282 : vector<1x16xf32> to vector<16xf32>
        %swap3A_284 = vector.shape_cast %get3A_279 : vector<16xf32> to vector<1x16xf32>
        tpu.vector_store %arg12[%swap3A_280, %swap3A_281], %swap3A_284 {add = true, strides = array<i32>} : memref<32x768xf32, #tpu.memory_space<vmem>>, vector<1x16xf32>,
        %add3A_285 = arith.constant 40 : i32
        %add3A_286 = arith.addi %add3A_285, %scan3A_99 : i32
        %get3A_287 = arith.index_cast %add3A_286 : i32 to index
        %get3A_288 = arith.constant 272 : index
        %get3A_289 = tpu.vector_load %arg8[%get3A_287, %get3A_288] {strides = array<i32>} : memref<72x768xf32, #tpu.memory_space<vmem>>, vector<1x16xf32>,
        %get3A_290 = vector.shape_cast %get3A_289 : vector<1x16xf32> to vector<16xf32>
        %swap3A_291 = arith.index_cast %scan3A_99 : i32 to index
        %swap3A_292 = arith.constant 272 : index
        %swap3A_293 = tpu.vector_load %arg12[%swap3A_291, %swap3A_292] {strides = array<i32>} : memref<32x768xf32, #tpu.memory_space<vmem>>, vector<1x16xf32>,
        %swap3A_294 = vector.shape_cast %swap3A_293 : vector<1x16xf32> to vector<16xf32>
        %swap3A_295 = vector.shape_cast %get3A_290 : vector<16xf32> to vector<1x16xf32>
        tpu.vector_store %arg12[%swap3A_291, %swap3A_292], %swap3A_295 {add = true, strides = array<i32>} : memref<32x768xf32, #tpu.memory_space<vmem>>, vector<1x16xf32>,
        %add3A_296 = arith.constant 40 : i32
        %add3A_297 = arith.addi %add3A_296, %scan3A_99 : i32
        %get3A_298 = arith.index_cast %add3A_297 : i32 to index
        %get3A_299 = arith.constant 288 : index
        %get3A_300 = tpu.vector_load %arg8[%get3A_298, %get3A_299] {strides = array<i32>} : memref<72x768xf32, #tpu.memory_space<vmem>>, vector<1x16xf32>,
        %get3A_301 = vector.shape_cast %get3A_300 : vector<1x16xf32> to vector<16xf32>
        %swap3A_302 = arith.index_cast %scan3A_99 : i32 to index
        %swap3A_303 = arith.constant 288 : index
        %swap3A_304 = tpu.vector_load %arg12[%swap3A_302, %swap3A_303] {strides = array<i32>} : memref<32x768xf32, #tpu.memory_space<vmem>>, vector<1x16xf32>,
        %swap3A_305 = vector.shape_cast %swap3A_304 : vector<1x16xf32> to vector<16xf32>
        %swap3A_306 = vector.shape_cast %get3A_301 : vector<16xf32> to vector<1x16xf32>
        tpu.vector_store %arg12[%swap3A_302, %swap3A_303], %swap3A_306 {add = true, strides = array<i32>} : memref<32x768xf32, #tpu.memory_space<vmem>>, vector<1x16xf32>,
        %add3A_307 = arith.constant 40 : i32
        %add3A_308 = arith.addi %add3A_307, %scan3A_99 : i32
        %get3A_309 = arith.index_cast %add3A_308 : i32 to index
        %get3A_310 = arith.constant 304 : index
        %get3A_311 = tpu.vector_load %arg8[%get3A_309, %get3A_310] {strides = array<i32>} : memref<72x768xf32, #tpu.memory_space<vmem>>, vector<1x16xf32>,
        %get3A_312 = vector.shape_cast %get3A_311 : vector<1x16xf32> to vector<16xf32>
        %swap3A_313 = arith.index_cast %scan3A_99 : i32 to index
        %swap3A_314 = arith.constant 304 : index
        %swap3A_315 = tpu.vector_load %arg12[%swap3A_313, %swap3A_314] {strides = array<i32>} : memref<32x768xf32, #tpu.memory_space<vmem>>, vector<1x16xf32>,
        %swap3A_316 = vector.shape_cast %swap3A_315 : vector<1x16xf32> to vector<16xf32>
        %swap3A_317 = vector.shape_cast %get3A_312 : vector<16xf32> to vector<1x16xf32>
        tpu.vector_store %arg12[%swap3A_313, %swap3A_314], %swap3A_317 {add = true, strides = array<i32>} : memref<32x768xf32, #tpu.memory_space<vmem>>, vector<1x16xf32>,
        %add3A_318 = arith.constant 40 : i32
        %add3A_319 = arith.addi %add3A_318, %scan3A_99 : i32
        %get3A_320 = arith.index_cast %add3A_319 : i32 to index
        %get3A_321 = arith.constant 320 : index
        %get3A_322 = tpu.vector_load %arg8[%get3A_320, %get3A_321] {strides = array<i32>} : memref<72x768xf32, #tpu.memory_space<vmem>>, vector<1x16xf32>,
        %get3A_323 = vector.shape_cast %get3A_322 : vector<1x16xf32> to vector<16xf32>
        %swap3A_324 = arith.index_cast %scan3A_99 : i32 to index
        %swap3A_325 = arith.constant 320 : index
        %swap3A_326 = tpu.vector_load %arg12[%swap3A_324, %swap3A_325] {strides = array<i32>} : memref<32x768xf32, #tpu.memory_space<vmem>>, vector<1x16xf32>,
        %swap3A_327 = vector.shape_cast %swap3A_326 : vector<1x16xf32> to vector<16xf32>
        %swap3A_328 = vector.shape_cast %get3A_323 : vector<16xf32> to vector<1x16xf32>
        tpu.vector_store %arg12[%swap3A_324, %swap3A_325], %swap3A_328 {add = true, strides = array<i32>} : memref<32x768xf32, #tpu.memory_space<vmem>>, vector<1x16xf32>,
        %add3A_329 = arith.constant 40 : i32
        %add3A_330 = arith.addi %add3A_329, %scan3A_99 : i32
        %get3A_331 = arith.index_cast %add3A_330 : i32 to index
        %get3A_332 = arith.constant 336 : index
        %get3A_333 = tpu.vector_load %arg8[%get3A_331, %get3A_332] {strides = array<i32>} : memref<72x768xf32, #tpu.memory_space<vmem>>, vector<1x16xf32>,
        %get3A_334 = vector.shape_cast %get3A_333 : vector<1x16xf32> to vector<16xf32>
        %swap3A_335 = arith.index_cast %scan3A_99 : i32 to index
        %swap3A_336 = arith.constant 336 : index
        %swap3A_337 = tpu.vector_load %arg12[%swap3A_335, %swap3A_336] {strides = array<i32>} : memref<32x768xf32, #tpu.memory_space<vmem>>, vector<1x16xf32>,
        %swap3A_338 = vector.shape_cast %swap3A_337 : vector<1x16xf32> to vector<16xf32>
        %swap3A_339 = vector.shape_cast %get3A_334 : vector<16xf32> to vector<1x16xf32>
        tpu.vector_store %arg12[%swap3A_335, %swap3A_336], %swap3A_339 {add = true, strides = array<i32>} : memref<32x768xf32, #tpu.memory_space<vmem>>, vector<1x16xf32>,
        %add3A_340 = arith.constant 40 : i32
        %add3A_341 = arith.addi %add3A_340, %scan3A_99 : i32
        %get3A_342 = arith.index_cast %add3A_341 : i32 to index
        %get3A_343 = arith.constant 352 : index
        %get3A_344 = tpu.vector_load %arg8[%get3A_342, %get3A_343] {strides = array<i32>} : memref<72x768xf32, #tpu.memory_space<vmem>>, vector<1x16xf32>,
        %get3A_345 = vector.shape_cast %get3A_344 : vector<1x16xf32> to vector<16xf32>
        %swap3A_346 = arith.index_cast %scan3A_99 : i32 to index
        %swap3A_347 = arith.constant 352 : index
        %swap3A_348 = tpu.vector_load %arg12[%swap3A_346, %swap3A_347] {strides = array<i32>} : memref<32x768xf32, #tpu.memory_space<vmem>>, vector<1x16xf32>,
        %swap3A_349 = vector.shape_cast %swap3A_348 : vector<1x16xf32> to vector<16xf32>
        %swap3A_350 = vector.shape_cast %get3A_345 : vector<16xf32> to vector<1x16xf32>
        tpu.vector_store %arg12[%swap3A_346, %swap3A_347], %swap3A_350 {add = true, strides = array<i32>} : memref<32x768xf32, #tpu.memory_space<vmem>>, vector<1x16xf32>,
        %add3A_351 = arith.constant 40 : i32
        %add3A_352 = arith.addi %add3A_351, %scan3A_99 : i32
        %get3A_353 = arith.index_cast %add3A_352 : i32 to index
        %get3A_354 = arith.constant 368 : index
        %get3A_355 = tpu.vector_load %arg8[%get3A_353, %get3A_354] {strides = array<i32>} : memref<72x768xf32, #tpu.memory_space<vmem>>, vector<1x16xf32>,
        %get3A_356 = vector.shape_cast %get3A_355 : vector<1x16xf32> to vector<16xf32>
        %swap3A_357 = arith.index_cast %scan3A_99 : i32 to index
        %swap3A_358 = arith.constant 368 : index
        %swap3A_359 = tpu.vector_load %arg12[%swap3A_357, %swap3A_358] {strides = array<i32>} : memref<32x768xf32, #tpu.memory_space<vmem>>, vector<1x16xf32>,
        %swap3A_360 = vector.shape_cast %swap3A_359 : vector<1x16xf32> to vector<16xf32>
        %swap3A_361 = vector.shape_cast %get3A_356 : vector<16xf32> to vector<1x16xf32>
        tpu.vector_store %arg12[%swap3A_357, %swap3A_358], %swap3A_361 {add = true, strides = array<i32>} : memref<32x768xf32, #tpu.memory_space<vmem>>, vector<1x16xf32>,
        %add3A_362 = arith.constant 40 : i32
        %add3A_363 = arith.addi %add3A_362, %scan3A_99 : i32
        %get3A_364 = arith.index_cast %add3A_363 : i32 to index
        %get3A_365 = arith.constant 384 : index
        %get3A_366 = tpu.vector_load %arg8[%get3A_364, %get3A_365] {strides = array<i32>} : memref<72x768xf32, #tpu.memory_space<vmem>>, vector<1x16xf32>,
        %get3A_367 = vector.shape_cast %get3A_366 : vector<1x16xf32> to vector<16xf32>
        %swap3A_368 = arith.index_cast %scan3A_99 : i32 to index
        %swap3A_369 = arith.constant 384 : index
        %swap3A_370 = tpu.vector_load %arg12[%swap3A_368, %swap3A_369] {strides = array<i32>} : memref<32x768xf32, #tpu.memory_space<vmem>>, vector<1x16xf32>,
        %swap3A_371 = vector.shape_cast %swap3A_370 : vector<1x16xf32> to vector<16xf32>
        %swap3A_372 = vector.shape_cast %get3A_367 : vector<16xf32> to vector<1x16xf32>
        tpu.vector_store %arg12[%swap3A_368, %swap3A_369], %swap3A_372 {add = true, strides = array<i32>} : memref<32x768xf32, #tpu.memory_space<vmem>>, vector<1x16xf32>,
        %add3A_373 = arith.constant 40 : i32
        %add3A_374 = arith.addi %add3A_373, %scan3A_99 : i32
        %get3A_375 = arith.index_cast %add3A_374 : i32 to index
        %get3A_376 = arith.constant 400 : index
        %get3A_377 = tpu.vector_load %arg8[%get3A_375, %get3A_376] {strides = array<i32>} : memref<72x768xf32, #tpu.memory_space<vmem>>, vector<1x16xf32>,
        %get3A_378 = vector.shape_cast %get3A_377 : vector<1x16xf32> to vector<16xf32>
        %swap3A_379 = arith.index_cast %scan3A_99 : i32 to index
        %swap3A_380 = arith.constant 400 : index
        %swap3A_381 = tpu.vector_load %arg12[%swap3A_379, %swap3A_380] {strides = array<i32>} : memref<32x768xf32, #tpu.memory_space<vmem>>, vector<1x16xf32>,
        %swap3A_382 = vector.shape_cast %swap3A_381 : vector<1x16xf32> to vector<16xf32>
        %swap3A_383 = vector.shape_cast %get3A_378 : vector<16xf32> to vector<1x16xf32>
        tpu.vector_store %arg12[%swap3A_379, %swap3A_380], %swap3A_383 {add = true, strides = array<i32>} : memref<32x768xf32, #tpu.memory_space<vmem>>, vector<1x16xf32>,
        %add3A_384 = arith.constant 40 : i32
        %add3A_385 = arith.addi %add3A_384, %scan3A_99 : i32
        %get3A_386 = arith.index_cast %add3A_385 : i32 to index
        %get3A_387 = arith.constant 416 : index
        %get3A_388 = tpu.vector_load %arg8[%get3A_386, %get3A_387] {strides = array<i32>} : memref<72x768xf32, #tpu.memory_space<vmem>>, vector<1x16xf32>,
        %get3A_389 = vector.shape_cast %get3A_388 : vector<1x16xf32> to vector<16xf32>
        %swap3A_390 = arith.index_cast %scan3A_99 : i32 to index
        %swap3A_391 = arith.constant 416 : index
        %swap3A_392 = tpu.vector_load %arg12[%swap3A_390, %swap3A_391] {strides = array<i32>} : memref<32x768xf32, #tpu.memory_space<vmem>>, vector<1x16xf32>,
        %swap3A_393 = vector.shape_cast %swap3A_392 : vector<1x16xf32> to vector<16xf32>
        %swap3A_394 = vector.shape_cast %get3A_389 : vector<16xf32> to vector<1x16xf32>
        tpu.vector_store %arg12[%swap3A_390, %swap3A_391], %swap3A_394 {add = true, strides = array<i32>} : memref<32x768xf32, #tpu.memory_space<vmem>>, vector<1x16xf32>,
        %add3A_395 = arith.constant 40 : i32
        %add3A_396 = arith.addi %add3A_395, %scan3A_99 : i32
        %get3A_397 = arith.index_cast %add3A_396 : i32 to index
        %get3A_398 = arith.constant 432 : index
        %get3A_399 = tpu.vector_load %arg8[%get3A_397, %get3A_398] {strides = array<i32>} : memref<72x768xf32, #tpu.memory_space<vmem>>, vector<1x16xf32>,
        %get3A_400 = vector.shape_cast %get3A_399 : vector<1x16xf32> to vector<16xf32>
        %swap3A_401 = arith.index_cast %scan3A_99 : i32 to index
        %swap3A_402 = arith.constant 432 : index
        %swap3A_403 = tpu.vector_load %arg12[%swap3A_401, %swap3A_402] {strides = array<i32>} : memref<32x768xf32, #tpu.memory_space<vmem>>, vector<1x16xf32>,
        %swap3A_404 = vector.shape_cast %swap3A_403 : vector<1x16xf32> to vector<16xf32>
        %swap3A_405 = vector.shape_cast %get3A_400 : vector<16xf32> to vector<1x16xf32>
        tpu.vector_store %arg12[%swap3A_401, %swap3A_402], %swap3A_405 {add = true, strides = array<i32>} : memref<32x768xf32, #tpu.memory_space<vmem>>, vector<1x16xf32>,
        %add3A_406 = arith.constant 40 : i32
        %add3A_407 = arith.addi %add3A_406, %scan3A_99 : i32
        %get3A_408 = arith.index_cast %add3A_407 : i32 to index
        %get3A_409 = arith.constant 448 : index
        %get3A_410 = tpu.vector_load %arg8[%get3A_408, %get3A_409] {strides = array<i32>} : memref<72x768xf32, #tpu.memory_space<vmem>>, vector<1x16xf32>,
        %get3A_411 = vector.shape_cast %get3A_410 : vector<1x16xf32> to vector<16xf32>
        %swap3A_412 = arith.index_cast %scan3A_99 : i32 to index
        %swap3A_413 = arith.constant 448 : index
        %swap3A_414 = tpu.vector_load %arg12[%swap3A_412, %swap3A_413] {strides = array<i32>} : memref<32x768xf32, #tpu.memory_space<vmem>>, vector<1x16xf32>,
        %swap3A_415 = vector.shape_cast %swap3A_414 : vector<1x16xf32> to vector<16xf32>
        %swap3A_416 = vector.shape_cast %get3A_411 : vector<16xf32> to vector<1x16xf32>
        tpu.vector_store %arg12[%swap3A_412, %swap3A_413], %swap3A_416 {add = true, strides = array<i32>} : memref<32x768xf32, #tpu.memory_space<vmem>>, vector<1x16xf32>,
        %add3A_417 = arith.constant 40 : i32
        %add3A_418 = arith.addi %add3A_417, %scan3A_99 : i32
        %get3A_419 = arith.index_cast %add3A_418 : i32 to index
        %get3A_420 = arith.constant 464 : index
        %get3A_421 = tpu.vector_load %arg8[%get3A_419, %get3A_420] {strides = array<i32>} : memref<72x768xf32, #tpu.memory_space<vmem>>, vector<1x16xf32>,
        %get3A_422 = vector.shape_cast %get3A_421 : vector<1x16xf32> to vector<16xf32>
        %swap3A_423 = arith.index_cast %scan3A_99 : i32 to index
        %swap3A_424 = arith.constant 464 : index
        %swap3A_425 = tpu.vector_load %arg12[%swap3A_423, %swap3A_424] {strides = array<i32>} : memref<32x768xf32, #tpu.memory_space<vmem>>, vector<1x16xf32>,
        %swap3A_426 = vector.shape_cast %swap3A_425 : vector<1x16xf32> to vector<16xf32>
        %swap3A_427 = vector.shape_cast %get3A_422 : vector<16xf32> to vector<1x16xf32>
        tpu.vector_store %arg12[%swap3A_423, %swap3A_424], %swap3A_427 {add = true, strides = array<i32>} : memref<32x768xf32, #tpu.memory_space<vmem>>, vector<1x16xf32>,
        %add3A_428 = arith.constant 40 : i32
        %add3A_429 = arith.addi %add3A_428, %scan3A_99 : i32
        %get3A_430 = arith.index_cast %add3A_429 : i32 to index
        %get3A_431 = arith.constant 480 : index
        %get3A_432 = tpu.vector_load %arg8[%get3A_430, %get3A_431] {strides = array<i32>} : memref<72x768xf32, #tpu.memory_space<vmem>>, vector<1x16xf32>,
        %get3A_433 = vector.shape_cast %get3A_432 : vector<1x16xf32> to vector<16xf32>
        %swap3A_434 = arith.index_cast %scan3A_99 : i32 to index
        %swap3A_435 = arith.constant 480 : index
        %swap3A_436 = tpu.vector_load %arg12[%swap3A_434, %swap3A_435] {strides = array<i32>} : memref<32x768xf32, #tpu.memory_space<vmem>>, vector<1x16xf32>,
        %swap3A_437 = vector.shape_cast %swap3A_436 : vector<1x16xf32> to vector<16xf32>
        %swap3A_438 = vector.shape_cast %get3A_433 : vector<16xf32> to vector<1x16xf32>
        tpu.vector_store %arg12[%swap3A_434, %swap3A_435], %swap3A_438 {add = true, strides = array<i32>} : memref<32x768xf32, #tpu.memory_space<vmem>>, vector<1x16xf32>,
        %add3A_439 = arith.constant 40 : i32
        %add3A_440 = arith.addi %add3A_439, %scan3A_99 : i32
        %get3A_441 = arith.index_cast %add3A_440 : i32 to index
        %get3A_442 = arith.constant 496 : index
        %get3A_443 = tpu.vector_load %arg8[%get3A_441, %get3A_442] {strides = array<i32>} : memref<72x768xf32, #tpu.memory_space<vmem>>, vector<1x16xf32>,
        %get3A_444 = vector.shape_cast %get3A_443 : vector<1x16xf32> to vector<16xf32>
        %swap3A_445 = arith.index_cast %scan3A_99 : i32 to index
        %swap3A_446 = arith.constant 496 : index
        %swap3A_447 = tpu.vector_load %arg12[%swap3A_445, %swap3A_446] {strides = array<i32>} : memref<32x768xf32, #tpu.memory_space<vmem>>, vector<1x16xf32>,
        %swap3A_448 = vector.shape_cast %swap3A_447 : vector<1x16xf32> to vector<16xf32>
        %swap3A_449 = vector.shape_cast %get3A_444 : vector<16xf32> to vector<1x16xf32>
        tpu.vector_store %arg12[%swap3A_445, %swap3A_446], %swap3A_449 {add = true, strides = array<i32>} : memref<32x768xf32, #tpu.memory_space<vmem>>, vector<1x16xf32>,
        %add3A_450 = arith.constant 40 : i32
        %add3A_451 = arith.addi %add3A_450, %scan3A_99 : i32
        %get3A_452 = arith.index_cast %add3A_451 : i32 to index
        %get3A_453 = arith.constant 512 : index
        %get3A_454 = tpu.vector_load %arg8[%get3A_452, %get3A_453] {strides = array<i32>} : memref<72x768xf32, #tpu.memory_space<vmem>>, vector<1x16xf32>,
        %get3A_455 = vector.shape_cast %get3A_454 : vector<1x16xf32> to vector<16xf32>
        %swap3A_456 = arith.index_cast %scan3A_99 : i32 to index
        %swap3A_457 = arith.constant 512 : index
        %swap3A_458 = tpu.vector_load %arg12[%swap3A_456, %swap3A_457] {strides = array<i32>} : memref<32x768xf32, #tpu.memory_space<vmem>>, vector<1x16xf32>,
        %swap3A_459 = vector.shape_cast %swap3A_458 : vector<1x16xf32> to vector<16xf32>
        %swap3A_460 = vector.shape_cast %get3A_455 : vector<16xf32> to vector<1x16xf32>
        tpu.vector_store %arg12[%swap3A_456, %swap3A_457], %swap3A_460 {add = true, strides = array<i32>} : memref<32x768xf32, #tpu.memory_space<vmem>>, vector<1x16xf32>,
        %add3A_461 = arith.constant 40 : i32
        %add3A_462 = arith.addi %add3A_461, %scan3A_99 : i32
        %get3A_463 = arith.index_cast %add3A_462 : i32 to index
        %get3A_464 = arith.constant 528 : index
        %get3A_465 = tpu.vector_load %arg8[%get3A_463, %get3A_464] {strides = array<i32>} : memref<72x768xf32, #tpu.memory_space<vmem>>, vector<1x16xf32>,
        %get3A_466 = vector.shape_cast %get3A_465 : vector<1x16xf32> to vector<16xf32>
        %swap3A_467 = arith.index_cast %scan3A_99 : i32 to index
        %swap3A_468 = arith.constant 528 : index
        %swap3A_469 = tpu.vector_load %arg12[%swap3A_467, %swap3A_468] {strides = array<i32>} : memref<32x768xf32, #tpu.memory_space<vmem>>, vector<1x16xf32>,
        %swap3A_470 = vector.shape_cast %swap3A_469 : vector<1x16xf32> to vector<16xf32>
        %swap3A_471 = vector.shape_cast %get3A_466 : vector<16xf32> to vector<1x16xf32>
        tpu.vector_store %arg12[%swap3A_467, %swap3A_468], %swap3A_471 {add = true, strides = array<i32>} : memref<32x768xf32, #tpu.memory_space<vmem>>, vector<1x16xf32>,
        %add3A_472 = arith.constant 40 : i32
        %add3A_473 = arith.addi %add3A_472, %scan3A_99 : i32
        %get3A_474 = arith.index_cast %add3A_473 : i32 to index
        %get3A_475 = arith.constant 544 : index
        %get3A_476 = tpu.vector_load %arg8[%get3A_474, %get3A_475] {strides = array<i32>} : memref<72x768xf32, #tpu.memory_space<vmem>>, vector<1x16xf32>,
        %get3A_477 = vector.shape_cast %get3A_476 : vector<1x16xf32> to vector<16xf32>
        %swap3A_478 = arith.index_cast %scan3A_99 : i32 to index
        %swap3A_479 = arith.constant 544 : index
        %swap3A_480 = tpu.vector_load %arg12[%swap3A_478, %swap3A_479] {strides = array<i32>} : memref<32x768xf32, #tpu.memory_space<vmem>>, vector<1x16xf32>,
        %swap3A_481 = vector.shape_cast %swap3A_480 : vector<1x16xf32> to vector<16xf32>
        %swap3A_482 = vector.shape_cast %get3A_477 : vector<16xf32> to vector<1x16xf32>
        tpu.vector_store %arg12[%swap3A_478, %swap3A_479], %swap3A_482 {add = true, strides = array<i32>} : memref<32x768xf32, #tpu.memory_space<vmem>>, vector<1x16xf32>,
        %add3A_483 = arith.constant 40 : i32
        %add3A_484 = arith.addi %add3A_483, %scan3A_99 : i32
        %get3A_485 = arith.index_cast %add3A_484 : i32 to index
        %get3A_486 = arith.constant 560 : index
        %get3A_487 = tpu.vector_load %arg8[%get3A_485, %get3A_486] {strides = array<i32>} : memref<72x768xf32, #tpu.memory_space<vmem>>, vector<1x16xf32>,
        %get3A_488 = vector.shape_cast %get3A_487 : vector<1x16xf32> to vector<16xf32>
        %swap3A_489 = arith.index_cast %scan3A_99 : i32 to index
        %swap3A_490 = arith.constant 560 : index
        %swap3A_491 = tpu.vector_load %arg12[%swap3A_489, %swap3A_490] {strides = array<i32>} : memref<32x768xf32, #tpu.memory_space<vmem>>, vector<1x16xf32>,
        %swap3A_492 = vector.shape_cast %swap3A_491 : vector<1x16xf32> to vector<16xf32>
        %swap3A_493 = vector.shape_cast %get3A_488 : vector<16xf32> to vector<1x16xf32>
        tpu.vector_store %arg12[%swap3A_489, %swap3A_490], %swap3A_493 {add = true, strides = array<i32>} : memref<32x768xf32, #tpu.memory_space<vmem>>, vector<1x16xf32>,
        %add3A_494 = arith.constant 40 : i32
        %add3A_495 = arith.addi %add3A_494, %scan3A_99 : i32
        %get3A_496 = arith.index_cast %add3A_495 : i32 to index
        %get3A_497 = arith.constant 576 : index
        %get3A_498 = tpu.vector_load %arg8[%get3A_496, %get3A_497] {strides = array<i32>} : memref<72x768xf32, #tpu.memory_space<vmem>>, vector<1x16xf32>,
        %get3A_499 = vector.shape_cast %get3A_498 : vector<1x16xf32> to vector<16xf32>
        %swap3A_500 = arith.index_cast %scan3A_99 : i32 to index
        %swap3A_501 = arith.constant 576 : index
        %swap3A_502 = tpu.vector_load %arg12[%swap3A_500, %swap3A_501] {strides = array<i32>} : memref<32x768xf32, #tpu.memory_space<vmem>>, vector<1x16xf32>,
        %swap3A_503 = vector.shape_cast %swap3A_502 : vector<1x16xf32> to vector<16xf32>
        %swap3A_504 = vector.shape_cast %get3A_499 : vector<16xf32> to vector<1x16xf32>
        tpu.vector_store %arg12[%swap3A_500, %swap3A_501], %swap3A_504 {add = true, strides = array<i32>} : memref<32x768xf32, #tpu.memory_space<vmem>>, vector<1x16xf32>,
        %add3A_505 = arith.constant 40 : i32
        %add3A_506 = arith.addi %add3A_505, %scan3A_99 : i32
        %get3A_507 = arith.index_cast %add3A_506 : i32 to index
        %get3A_508 = arith.constant 592 : index
        %get3A_509 = tpu.vector_load %arg8[%get3A_507, %get3A_508] {strides = array<i32>} : memref<72x768xf32, #tpu.memory_space<vmem>>, vector<1x16xf32>,
        %get3A_510 = vector.shape_cast %get3A_509 : vector<1x16xf32> to vector<16xf32>
        %swap3A_511 = arith.index_cast %scan3A_99 : i32 to index
        %swap3A_512 = arith.constant 592 : index
        %swap3A_513 = tpu.vector_load %arg12[%swap3A_511, %swap3A_512] {strides = array<i32>} : memref<32x768xf32, #tpu.memory_space<vmem>>, vector<1x16xf32>,
        %swap3A_514 = vector.shape_cast %swap3A_513 : vector<1x16xf32> to vector<16xf32>
        %swap3A_515 = vector.shape_cast %get3A_510 : vector<16xf32> to vector<1x16xf32>
        tpu.vector_store %arg12[%swap3A_511, %swap3A_512], %swap3A_515 {add = true, strides = array<i32>} : memref<32x768xf32, #tpu.memory_space<vmem>>, vector<1x16xf32>,
        %add3A_516 = arith.constant 40 : i32
        %add3A_517 = arith.addi %add3A_516, %scan3A_99 : i32
        %get3A_518 = arith.index_cast %add3A_517 : i32 to index
        %get3A_519 = arith.constant 608 : index
        %get3A_520 = tpu.vector_load %arg8[%get3A_518, %get3A_519] {strides = array<i32>} : memref<72x768xf32, #tpu.memory_space<vmem>>, vector<1x16xf32>,
        %get3A_521 = vector.shape_cast %get3A_520 : vector<1x16xf32> to vector<16xf32>
        %swap3A_522 = arith.index_cast %scan3A_99 : i32 to index
        %swap3A_523 = arith.constant 608 : index
        %swap3A_524 = tpu.vector_load %arg12[%swap3A_522, %swap3A_523] {strides = array<i32>} : memref<32x768xf32, #tpu.memory_space<vmem>>, vector<1x16xf32>,
        %swap3A_525 = vector.shape_cast %swap3A_524 : vector<1x16xf32> to vector<16xf32>
        %swap3A_526 = vector.shape_cast %get3A_521 : vector<16xf32> to vector<1x16xf32>
        tpu.vector_store %arg12[%swap3A_522, %swap3A_523], %swap3A_526 {add = true, strides = array<i32>} : memref<32x768xf32, #tpu.memory_space<vmem>>, vector<1x16xf32>,
        %add3A_527 = arith.constant 40 : i32
        %add3A_528 = arith.addi %add3A_527, %scan3A_99 : i32
        %get3A_529 = arith.index_cast %add3A_528 : i32 to index
        %get3A_530 = arith.constant 624 : index
        %get3A_531 = tpu.vector_load %arg8[%get3A_529, %get3A_530] {strides = array<i32>} : memref<72x768xf32, #tpu.memory_space<vmem>>, vector<1x16xf32>,
        %get3A_532 = vector.shape_cast %get3A_531 : vector<1x16xf32> to vector<16xf32>
        %swap3A_533 = arith.index_cast %scan3A_99 : i32 to index
        %swap3A_534 = arith.constant 624 : index
        %swap3A_535 = tpu.vector_load %arg12[%swap3A_533, %swap3A_534] {strides = array<i32>} : memref<32x768xf32, #tpu.memory_space<vmem>>, vector<1x16xf32>,
        %swap3A_536 = vector.shape_cast %swap3A_535 : vector<1x16xf32> to vector<16xf32>
        %swap3A_537 = vector.shape_cast %get3A_532 : vector<16xf32> to vector<1x16xf32>
        tpu.vector_store %arg12[%swap3A_533, %swap3A_534], %swap3A_537 {add = true, strides = array<i32>} : memref<32x768xf32, #tpu.memory_space<vmem>>, vector<1x16xf32>,
        %add3A_538 = arith.constant 40 : i32
        %add3A_539 = arith.addi %add3A_538, %scan3A_99 : i32
        %get3A_540 = arith.index_cast %add3A_539 : i32 to index
        %get3A_541 = arith.constant 640 : index
        %get3A_542 = tpu.vector_load %arg8[%get3A_540, %get3A_541] {strides = array<i32>} : memref<72x768xf32, #tpu.memory_space<vmem>>, vector<1x16xf32>,
        %get3A_543 = vector.shape_cast %get3A_542 : vector<1x16xf32> to vector<16xf32>
        %swap3A_544 = arith.index_cast %scan3A_99 : i32 to index
        %swap3A_545 = arith.constant 640 : index
        %swap3A_546 = tpu.vector_load %arg12[%swap3A_544, %swap3A_545] {strides = array<i32>} : memref<32x768xf32, #tpu.memory_space<vmem>>, vector<1x16xf32>,
        %swap3A_547 = vector.shape_cast %swap3A_546 : vector<1x16xf32> to vector<16xf32>
        %swap3A_548 = vector.shape_cast %get3A_543 : vector<16xf32> to vector<1x16xf32>
        tpu.vector_store %arg12[%swap3A_544, %swap3A_545], %swap3A_548 {add = true, strides = array<i32>} : memref<32x768xf32, #tpu.memory_space<vmem>>, vector<1x16xf32>,
        %add3A_549 = arith.constant 40 : i32
        %add3A_550 = arith.addi %add3A_549, %scan3A_99 : i32
        %get3A_551 = arith.index_cast %add3A_550 : i32 to index
        %get3A_552 = arith.constant 656 : index
        %get3A_553 = tpu.vector_load %arg8[%get3A_551, %get3A_552] {strides = array<i32>} : memref<72x768xf32, #tpu.memory_space<vmem>>, vector<1x16xf32>,
        %get3A_554 = vector.shape_cast %get3A_553 : vector<1x16xf32> to vector<16xf32>
        %swap3A_555 = arith.index_cast %scan3A_99 : i32 to index
        %swap3A_556 = arith.constant 656 : index
        %swap3A_557 = tpu.vector_load %arg12[%swap3A_555, %swap3A_556] {strides = array<i32>} : memref<32x768xf32, #tpu.memory_space<vmem>>, vector<1x16xf32>,
        %swap3A_558 = vector.shape_cast %swap3A_557 : vector<1x16xf32> to vector<16xf32>
        %swap3A_559 = vector.shape_cast %get3A_554 : vector<16xf32> to vector<1x16xf32>
        tpu.vector_store %arg12[%swap3A_555, %swap3A_556], %swap3A_559 {add = true, strides = array<i32>} : memref<32x768xf32, #tpu.memory_space<vmem>>, vector<1x16xf32>,
        %add3A_560 = arith.constant 40 : i32
        %add3A_561 = arith.addi %add3A_560, %scan3A_99 : i32
        %get3A_562 = arith.index_cast %add3A_561 : i32 to index
        %get3A_563 = arith.constant 672 : index
        %get3A_564 = tpu.vector_load %arg8[%get3A_562, %get3A_563] {strides = array<i32>} : memref<72x768xf32, #tpu.memory_space<vmem>>, vector<1x16xf32>,
        %get3A_565 = vector.shape_cast %get3A_564 : vector<1x16xf32> to vector<16xf32>
        %swap3A_566 = arith.index_cast %scan3A_99 : i32 to index
        %swap3A_567 = arith.constant 672 : index
        %swap3A_568 = tpu.vector_load %arg12[%swap3A_566, %swap3A_567] {strides = array<i32>} : memref<32x768xf32, #tpu.memory_space<vmem>>, vector<1x16xf32>,
        %swap3A_569 = vector.shape_cast %swap3A_568 : vector<1x16xf32> to vector<16xf32>
        %swap3A_570 = vector.shape_cast %get3A_565 : vector<16xf32> to vector<1x16xf32>
        tpu.vector_store %arg12[%swap3A_566, %swap3A_567], %swap3A_570 {add = true, strides = array<i32>} : memref<32x768xf32, #tpu.memory_space<vmem>>, vector<1x16xf32>,
        %add3A_571 = arith.constant 40 : i32
        %add3A_572 = arith.addi %add3A_571, %scan3A_99 : i32
        %get3A_573 = arith.index_cast %add3A_572 : i32 to index
        %get3A_574 = arith.constant 688 : index
        %get3A_575 = tpu.vector_load %arg8[%get3A_573, %get3A_574] {strides = array<i32>} : memref<72x768xf32, #tpu.memory_space<vmem>>, vector<1x16xf32>,
        %get3A_576 = vector.shape_cast %get3A_575 : vector<1x16xf32> to vector<16xf32>
        %swap3A_577 = arith.index_cast %scan3A_99 : i32 to index
        %swap3A_578 = arith.constant 688 : index
        %swap3A_579 = tpu.vector_load %arg12[%swap3A_577, %swap3A_578] {strides = array<i32>} : memref<32x768xf32, #tpu.memory_space<vmem>>, vector<1x16xf32>,
        %swap3A_580 = vector.shape_cast %swap3A_579 : vector<1x16xf32> to vector<16xf32>
        %swap3A_581 = vector.shape_cast %get3A_576 : vector<16xf32> to vector<1x16xf32>
        tpu.vector_store %arg12[%swap3A_577, %swap3A_578], %swap3A_581 {add = true, strides = array<i32>} : memref<32x768xf32, #tpu.memory_space<vmem>>, vector<1x16xf32>,
        %add3A_582 = arith.constant 40 : i32
        %add3A_583 = arith.addi %add3A_582, %scan3A_99 : i32
        %get3A_584 = arith.index_cast %add3A_583 : i32 to index
        %get3A_585 = arith.constant 704 : index
        %get3A_586 = tpu.vector_load %arg8[%get3A_584, %get3A_585] {strides = array<i32>} : memref<72x768xf32, #tpu.memory_space<vmem>>, vector<1x16xf32>,
        %get3A_587 = vector.shape_cast %get3A_586 : vector<1x16xf32> to vector<16xf32>
        %swap3A_588 = arith.index_cast %scan3A_99 : i32 to index
        %swap3A_589 = arith.constant 704 : index
        %swap3A_590 = tpu.vector_load %arg12[%swap3A_588, %swap3A_589] {strides = array<i32>} : memref<32x768xf32, #tpu.memory_space<vmem>>, vector<1x16xf32>,
        %swap3A_591 = vector.shape_cast %swap3A_590 : vector<1x16xf32> to vector<16xf32>
        %swap3A_592 = vector.shape_cast %get3A_587 : vector<16xf32> to vector<1x16xf32>
        tpu.vector_store %arg12[%swap3A_588, %swap3A_589], %swap3A_592 {add = true, strides = array<i32>} : memref<32x768xf32, #tpu.memory_space<vmem>>, vector<1x16xf32>,
        %add3A_593 = arith.constant 40 : i32
        %add3A_594 = arith.addi %add3A_593, %scan3A_99 : i32
        %get3A_595 = arith.index_cast %add3A_594 : i32 to index
        %get3A_596 = arith.constant 720 : index
        %get3A_597 = tpu.vector_load %arg8[%get3A_595, %get3A_596] {strides = array<i32>} : memref<72x768xf32, #tpu.memory_space<vmem>>, vector<1x16xf32>,
        %get3A_598 = vector.shape_cast %get3A_597 : vector<1x16xf32> to vector<16xf32>
        %swap3A_599 = arith.index_cast %scan3A_99 : i32 to index
        %swap3A_600 = arith.constant 720 : index
        %swap3A_601 = tpu.vector_load %arg12[%swap3A_599, %swap3A_600] {strides = array<i32>} : memref<32x768xf32, #tpu.memory_space<vmem>>, vector<1x16xf32>,
        %swap3A_602 = vector.shape_cast %swap3A_601 : vector<1x16xf32> to vector<16xf32>
        %swap3A_603 = vector.shape_cast %get3A_598 : vector<16xf32> to vector<1x16xf32>
        tpu.vector_store %arg12[%swap3A_599, %swap3A_600], %swap3A_603 {add = true, strides = array<i32>} : memref<32x768xf32, #tpu.memory_space<vmem>>, vector<1x16xf32>,
        %add3A_604 = arith.constant 40 : i32
        %add3A_605 = arith.addi %add3A_604, %scan3A_99 : i32
        %get3A_606 = arith.index_cast %add3A_605 : i32 to index
        %get3A_607 = arith.constant 736 : index
        %get3A_608 = tpu.vector_load %arg8[%get3A_606, %get3A_607] {strides = array<i32>} : memref<72x768xf32, #tpu.memory_space<vmem>>, vector<1x16xf32>,
        %get3A_609 = vector.shape_cast %get3A_608 : vector<1x16xf32> to vector<16xf32>
        %swap3A_610 = arith.index_cast %scan3A_99 : i32 to index
        %swap3A_611 = arith.constant 736 : index
        %swap3A_612 = tpu.vector_load %arg12[%swap3A_610, %swap3A_611] {strides = array<i32>} : memref<32x768xf32, #tpu.memory_space<vmem>>, vector<1x16xf32>,
        %swap3A_613 = vector.shape_cast %swap3A_612 : vector<1x16xf32> to vector<16xf32>
        %swap3A_614 = vector.shape_cast %get3A_609 : vector<16xf32> to vector<1x16xf32>
        tpu.vector_store %arg12[%swap3A_610, %swap3A_611], %swap3A_614 {add = true, strides = array<i32>} : memref<32x768xf32, #tpu.memory_space<vmem>>, vector<1x16xf32>,
        %add3A_615 = arith.constant 40 : i32
        %add3A_616 = arith.addi %add3A_615, %scan3A_99 : i32
        %get3A_617 = arith.index_cast %add3A_616 : i32 to index
        %get3A_618 = arith.constant 752 : index
        %get3A_619 = tpu.vector_load %arg8[%get3A_617, %get3A_618] {strides = array<i32>} : memref<72x768xf32, #tpu.memory_space<vmem>>, vector<1x16xf32>,
        %get3A_620 = vector.shape_cast %get3A_619 : vector<1x16xf32> to vector<16xf32>
        %swap3A_621 = arith.index_cast %scan3A_99 : i32 to index
        %swap3A_622 = arith.constant 752 : index
        %swap3A_623 = tpu.vector_load %arg12[%swap3A_621, %swap3A_622] {strides = array<i32>} : memref<32x768xf32, #tpu.memory_space<vmem>>, vector<1x16xf32>,
        %swap3A_624 = vector.shape_cast %swap3A_623 : vector<1x16xf32> to vector<16xf32>
        %swap3A_625 = vector.shape_cast %get3A_620 : vector<16xf32> to vector<1x16xf32>
        tpu.vector_store %arg12[%swap3A_621, %swap3A_622], %swap3A_625 {add = true, strides = array<i32>} : memref<32x768xf32, #tpu.memory_space<vmem>>, vector<1x16xf32>,
      }
      %scan3A_79 = arith.constant 32 : i32
      %dma_start3A_80 = arith.constant 40 : i32
      %dma_start3A_81 = arith.constant 0 : i32
      %dma_start3A_82 = tpu.memref_slice %arg6[%add3A_35, %dma_start3A_80, %dma_start3A_81] : memref<1024x77x768xf32, #tpu.memory_space<hbm>> -> memref<1x32x768xf32, #tpu.memory_space<hbm>>
      %dma_start3A_83 = tpu.memref_squeeze %dma_start3A_82 : memref<1x32x768xf32, #tpu.memory_space<hbm>> -> memref<32x768xf32, #tpu.memory_space<hbm>>
      %dma_start3A_84 = arith.constant 40 : i32
      %dma_start3A_85 = arith.constant 0 : i32
      %dma_start3A_86 = tpu.memref_slice %arg6[%add3A_35, %dma_start3A_84, %dma_start3A_85] : memref<1024x77x768xf32, #tpu.memory_space<hbm>> -> memref<1x32x768xf32, #tpu.memory_space<hbm>>
      %dma_start3A_87 = tpu.memref_squeeze %dma_start3A_86 : memref<1x32x768xf32, #tpu.memory_space<hbm>> -> memref<32x768xf32, #tpu.memory_space<hbm>>
      tpu.enqueue_dma source(%arg12 : memref<32x768xf32, #tpu.memory_space<vmem>>) target(%dma_start3A_87 : memref<32x768xf32, #tpu.memory_space<hbm>>) target_semaphore(%arg18 : memref<!tpu.dma_semaphore, #tpu.memory_space<semaphore_mem>>)
      %dma_wait3A_88 = arith.constant 0 : i32
      %dma_wait3A_89 = arith.constant 0 : i32
      %dma_wait3A_90 = tpu.memref_slice %arg4[%dma_wait3A_88, %dma_wait3A_89] : memref<49408x768xf32, #tpu.memory_space<hbm>> -> memref<49408x768xf32, #tpu.memory_space<hbm>>
      tpu.wait_indirect_dma semaphore(%arg16 : memref<!tpu.dma_semaphore, #tpu.memory_space<semaphore_mem>>) src(%dma_wait3A_90 : memref<49408x768xf32, #tpu.memory_space<hbm>>) dst(%arg13 : memref<8x768xf32, #tpu.memory_space<vmem>>)
      %dma_start3A_91 = arith.constant 0 : i32
      %dma_start3A_92 = arith.constant 0 : i32
      %dma_start3A_93 = tpu.memref_slice %arg7[%add3A_35, %dma_start3A_91, %dma_start3A_92] : memref<1024x8x768xf32, #tpu.memory_space<hbm>> -> memref<1x8x768xf32, #tpu.memory_space<hbm>>
      %dma_start3A_94 = tpu.memref_squeeze %dma_start3A_93 : memref<1x8x768xf32, #tpu.memory_space<hbm>> -> memref<8x768xf32, #tpu.memory_space<hbm>>
      %dma_start3A_95 = arith.constant 0 : i32
      %dma_start3A_96 = arith.constant 0 : i32
      %dma_start3A_97 = tpu.memref_slice %arg7[%add3A_35, %dma_start3A_95, %dma_start3A_96] : memref<1024x8x768xf32, #tpu.memory_space<hbm>> -> memref<1x8x768xf32, #tpu.memory_space<hbm>>
      %dma_start3A_98 = tpu.memref_squeeze %dma_start3A_97 : memref<1x8x768xf32, #tpu.memory_space<hbm>> -> memref<8x768xf32, #tpu.memory_space<hbm>>
      tpu.enqueue_dma source(%arg13 : memref<8x768xf32, #tpu.memory_space<vmem>>) target(%dma_start3A_98 : memref<8x768xf32, #tpu.memory_space<hbm>>) target_semaphore(%arg19 : memref<!tpu.dma_semaphore, #tpu.memory_space<semaphore_mem>>)
    }
    %scan3A_7 = arith.constant 32 : i32
    %add3A_8 = arith.constant 32 : i32
    %add3A_9 = arith.addi %mul3A_2, %add3A_8 : i32
    %sub3A = arith.constant 1 : i32
    %sub3A_10 = arith.subi %add3A_9, %sub3A : i32
    %dma_wait3A = arith.constant 0 : i32
    %dma_wait3A_11 = arith.constant 0 : i32
    %dma_wait3A_12 = tpu.memref_slice %arg6[%sub3A_10, %dma_wait3A, %dma_wait3A_11] : memref<1024x77x768xf32, #tpu.memory_space<hbm>> -> memref<1x40x768xf32, #tpu.memory_space<hbm>>
    %dma_wait3A_13 = tpu.memref_squeeze %dma_wait3A_12 : memref<1x40x768xf32, #tpu.memory_space<hbm>> -> memref<40x768xf32, #tpu.memory_space<hbm>>
    %dma_wait3A_14 = arith.constant 0 : i32
    %dma_wait3A_15 = arith.constant 0 : i32
    %dma_wait3A_16 = tpu.memref_slice %arg6[%sub3A_10, %dma_wait3A_14, %dma_wait3A_15] : memref<1024x77x768xf32, #tpu.memory_space<hbm>> -> memref<1x40x768xf32, #tpu.memory_space<hbm>>
    %dma_wait3A_17 = tpu.memref_squeeze %dma_wait3A_16 : memref<1x40x768xf32, #tpu.memory_space<hbm>> -> memref<40x768xf32, #tpu.memory_space<hbm>>
    tpu.wait_dma2 semaphore(%arg17 : memref<!tpu.dma_semaphore, #tpu.memory_space<semaphore_mem>>) src(%arg11 : memref<40x768xf32, #tpu.memory_space<vmem>>) dst(%dma_wait3A_17 : memref<40x768xf32, #tpu.memory_space<hbm>>)
    %dma_wait3A_18 = arith.constant 40 : i32
    %dma_wait3A_19 = arith.constant 0 : i32
    %dma_wait3A_20 = tpu.memref_slice %arg6[%sub3A_10, %dma_wait3A_18, %dma_wait3A_19] : memref<1024x77x768xf32, #tpu.memory_space<hbm>> -> memref<1x32x768xf32, #tpu.memory_space<hbm>>
    %dma_wait3A_21 = tpu.memref_squeeze %dma_wait3A_20 : memref<1x32x768xf32, #tpu.memory_space<hbm>> -> memref<32x768xf32, #tpu.memory_space<hbm>>
    %dma_wait3A_22 = arith.constant 40 : i32
    %dma_wait3A_23 = arith.constant 0 : i32
    %dma_wait3A_24 = tpu.memref_slice %arg6[%sub3A_10, %dma_wait3A_22, %dma_wait3A_23] : memref<1024x77x768xf32, #tpu.memory_space<hbm>> -> memref<1x32x768xf32, #tpu.memory_space<hbm>>
    %dma_wait3A_25 = tpu.memref_squeeze %dma_wait3A_24 : memref<1x32x768xf32, #tpu.memory_space<hbm>> -> memref<32x768xf32, #tpu.memory_space<hbm>>
    tpu.wait_dma2 semaphore(%arg18 : memref<!tpu.dma_semaphore, #tpu.memory_space<semaphore_mem>>) src(%arg12 : memref<32x768xf32, #tpu.memory_space<vmem>>) dst(%dma_wait3A_25 : memref<32x768xf32, #tpu.memory_space<hbm>>)
    %dma_wait3A_26 = arith.constant 0 : i32
    %dma_wait3A_27 = arith.constant 0 : i32
    %dma_wait3A_28 = tpu.memref_slice %arg7[%sub3A_10, %dma_wait3A_26, %dma_wait3A_27] : memref<1024x8x768xf32, #tpu.memory_space<hbm>> -> memref<1x8x768xf32, #tpu.memory_space<hbm>>
    %dma_wait3A_29 = tpu.memref_squeeze %dma_wait3A_28 : memref<1x8x768xf32, #tpu.memory_space<hbm>> -> memref<8x768xf32, #tpu.memory_space<hbm>>
    %dma_wait3A_30 = arith.constant 0 : i32
    %dma_wait3A_31 = arith.constant 0 : i32
    %dma_wait3A_32 = tpu.memref_slice %arg7[%sub3A_10, %dma_wait3A_30, %dma_wait3A_31] : memref<1024x8x768xf32, #tpu.memory_space<hbm>> -> memref<1x8x768xf32, #tpu.memory_space<hbm>>
    %dma_wait3A_33 = tpu.memref_squeeze %dma_wait3A_32 : memref<1x8x768xf32, #tpu.memory_space<hbm>> -> memref<8x768xf32, #tpu.memory_space<hbm>>
    tpu.wait_dma2 semaphore(%arg19 : memref<!tpu.dma_semaphore, #tpu.memory_space<semaphore_mem>>) src(%arg13 : memref<8x768xf32, #tpu.memory_space<vmem>>) dst(%dma_wait3A_33 : memref<8x768xf32, #tpu.memory_space<hbm>>)
    return
  }
}

module attributes {stable_mosaic.version = 14 : i64} {
  func.func @_tail_body(%arg0: i32, %arg1: memref<1x8x768xf32, #tpu.memory_space<vmem>>, %arg2: memref<8x8x768xf32, #tpu.memory_space<vmem>>, %arg3: memref<8x768xf32, #tpu.memory_space<vmem>>, %arg4: memref<8x8x768xf32, #tpu.memory_space<vmem>>) attributes {dimension_semantics = [#tpu.dimension_semantics<arbitrary>], iteration_bounds = array<i64: 128>, scalar_prefetch = 0 : i64, scratch_operands = 0 : i64, tpu.core_type = #tpu.core_type<tc>, window_params = [{transform_indices = @transform_0, window_bounds = array<i64: 1, 8, 768>}, {transform_indices = @transform_1, window_bounds = array<i64: 8, 8, 768>}, {transform_indices = @transform_2, window_bounds = array<i64: 8, 768>}, {transform_indices = @transform_3, window_bounds = array<i64: 8, 8, 768>}]} {
    %get3A = arith.constant 0 : index
    %get3A_0 = arith.constant 0 : index
    %get3A_1 = arith.constant 0 : index
    %get3A_2 = vector.load %arg2[%get3A, %get3A_0, %get3A_1] : memref<8x8x768xf32, #tpu.memory_space<vmem>>, vector<8x8x768xf32>
    %get3A_3 = arith.constant 0 : index
    %get3A_4 = arith.constant 0 : index
    %get3A_5 = vector.load %arg3[%get3A_3, %get3A_4] : memref<8x768xf32, #tpu.memory_space<vmem>>, vector<8x768xf32>
    %broadcast_in_dim3A = vector.shape_cast %get3A_5 : vector<8x768xf32> to vector<1x8x768xf32>
    %add3A = vector.broadcast %broadcast_in_dim3A : vector<1x8x768xf32> to vector<8x8x768xf32>
    %add3A_6 = arith.addf %get3A_2, %add3A : vector<8x8x768xf32>
    %swap3A = arith.constant 0 : index
    %swap3A_7 = arith.constant 0 : index
    %swap3A_8 = arith.constant 0 : index
    %swap3A_9 = vector.load %arg4[%swap3A, %swap3A_7, %swap3A_8] : memref<8x8x768xf32, #tpu.memory_space<vmem>>, vector<8x8x768xf32>
    tpu.vector_store %arg4[%swap3A, %swap3A_7, %swap3A_8], %add3A_6 {strides = array<i32>} : memref<8x8x768xf32, #tpu.memory_space<vmem>>, vector<8x8x768xf32>,
    return
  }
  func.func @transform_0(%arg0: i32) -> (i32, i32, i32) {
    %c9_i32 = arith.constant 9 : i32
    %c0_i32 = arith.constant 0 : i32
    %c0_i32_0 = arith.constant 0 : i32
    return %arg0, %c9_i32, %c0_i32 : i32, i32, i32
  }
  func.func @transform_1(%arg0: i32) -> (i32, i32, i32) {
    %c0_i32 = arith.constant 0 : i32
    %c0_i32_0 = arith.constant 0 : i32
    %c0_i32_1 = arith.constant 0 : i32
    return %arg0, %c0_i32, %c0_i32_0 : i32, i32, i32
  }
  func.func @transform_2(%arg0: i32) -> (i32, i32) {
    %c9_i32 = arith.constant 9 : i32
    %c0_i32 = arith.constant 0 : i32
    %c0_i32_0 = arith.constant 0 : i32
    return %c9_i32, %c0_i32 : i32, i32
  }
  func.func @transform_3(%arg0: i32) -> (i32, i32, i32) {
    %c9_i32 = arith.constant 9 : i32
    %c0_i32 = arith.constant 0 : i32
    %c0_i32_0 = arith.constant 0 : i32
    return %arg0, %c9_i32, %c0_i32 : i32, i32, i32
  }
}

</mosaic_0001>

<sc_bundles>
// kernel: _embed.4.cloned.1.call-start
scs
__scs_entry_jumppad:
0x0: {  	(pc) =	sbr.rel $0x88, $3  }
0x1: {  	(tag) =	ssettag $0x0;
	lr =	simm.s32 $0x1  }
0x2: {  	[smem:$0x3F9E] =	sst lr;
	_ =	strace $0xD0000000  }
0x3: {  	_ = 	snop  }
0x4: {  	_ = 	snop  }
0x5: {  	_ = 	snop  }
0x6: {  	_ = 	snop  }
0x7: {  	_ = 	snop  }
__scs_overlays_trampoline_lowered:
0x8: {  	[smem:$0x3FAD] =	sst s0  }
0x9: {  	[smem:$0x3FAE] =	sst s1  }
0xa: {  	[smem:$0x3FAF] =	sst s2  }
0xb: {  	[smem:$0x3FB0] =	sst s3  }
0xc: {  	[smem:$0x3FB1] =	sst s4  }
0xd: {  	[smem:$0x3FB2] =	sst s5  }
0xe: {  	[smem:$0x3FB3] =	sst s6  }
0xf: {  	[smem:$0x3FB4] =	sst s7  }
0x10: {  	[smem:$0x3FB5] =	sst s8  }
0x11: {  	[smem:$0x3FB6] =	sst s9;
	s0 =	simm.s32 @!p0 $0x0  }
0x12: {  	s1 =	sld [smem:$0x3F9C];
	s0 =	simm.s32 @p0 $0x1  }
0x13: {  	[smem:$0x3FB7] =	sst s0;
	s0 =	simm.s32 @!p1 $0x0  }
0x14: {  	s2 =	sld [smem:$0x3F9B];
	s0 =	simm.s32 @p1 $0x1  }
0x15: {  	[smem:$0x3FB8] =	sst s0;
	s0 =	simm.s32 @!p2 $0x0  }
0x16: {  	s3 =	sld [smem:$0x3FDB];
	s0 =	simm.s32 @p2 $0x1  }
0x17: {  	s4 =	simm.s32 $0x1BF5;
	[smem:$0x3FBA] =	sst s0  }
0x18: {  	s0 =	sld [smem:$0x3F9D];
	_ =	swait.ge [sflag:s4], $0x0  }
0x19: {  	s7 =	sld [smem:$0x3F9E]  }
0x1a: {  	s8 =	sadd.s32 $0xFFFFE003, lr  }
0x1b: {  	s9 =	sadd.s32 $0xFFFFFEF7, lr;
	s5 =	simm.s32 $0xFFFFFFFF;
	p2 =	slt.u32 s8, $0xFFFFF086  }
0x1c: {  	p1 =	slt.u32 s9, $0xF7A;
	s5 =	simm.s32 @!p2 $0x0  }
0x1d: {  	s5 =	simm.s32 @p1 $0x1;
	p0 =	seq.s32 s7, s2  }
0x1e: {  	s7 =	smul.u32 @!p0 $0xF7A, s2;
	p2 =	seq.s32 @!p0 s5, $0x0  }
0x1f: {  	s9 =	smul.u32 $0xF7A, s1;
	s8 =	simm.s32 @!p0 $0x1BF5;
	p2 =	por !p2, p0  }
0x20: {  	[sflag:s8] =	ssyncset.s32 @!p0 $0xFFFFF086;
	s6 =	sadd.s32 @!p0 s3, s7;
	s7 =	simm.s32 @!p0 $0x108  }
0x21: {  	s3 =	sadd.s32 s3, s9;
	s6 =	sadd.s32 @!p0 $0x88, s6;
	s7 =	simm.s32 @p2 $0x1082  }
0x22: {  	[simem:s7], [sflag:s8] =	dma.local @!p0 [hbm:s6], $0xF7A  }
0x23: {  	s9 =	sor.u32 $0xD0000000, s2;
	s6 =	simm.s32 $0x108;
	_ =	swait.ge @!p0 [sflag:s8], $0x0  }
0x24: {  	s3 =	sadd.s32 $0x88, s3;
	s6 =	simm.s32 @!p1 $0x1082;
	[sflag:s4] =	ssyncset.s32 $0xFFFFF086  }
0x25: {  	[simem:s6], [sflag:s4] =	dma.local [hbm:s3], $0xF7A  }
0x26: {  	[smem:$0x3F9E] =	sst s1;
	(tag) =	ssettag s2;
	_ =	strace s9  }
0x27: {  	s1 =	sld [smem:$0x3FAE]  }
0x28: {  	s2 =	sld [smem:$0x3FAF]  }
0x29: {  	s4 =	sld [smem:$0x3FB1]  }
0x2a: {  	p0 =	seq.s32 s5, $0x0;
	s5 =	sld [smem:$0x3FB2]  }
0x2b: {  	s6 =	sld [smem:$0x3FB3]  }
0x2c: {  	s7 =	sld [smem:$0x3FB4]  }
0x2d: {  	s3 =	simm.s32 $0x108;
	s8 =	sld [smem:$0x3FB5]  }
0x2e: {  	s3 =	simm.s32 @!p0 $0x1082;
	s9 =	sld [smem:$0x3FB6]  }
0x2f: {  	lr =	sadd.s32 s0, s3;
	s0 =	sld [smem:$0x3FAD]  }
0x30: {  	s3 =	sld [smem:$0x3FB0]  }
0x31: {  	[smem:$0x3FB9] =	sst s10  }
0x32: {  	s10 =	sld [smem:$0x3FB7];
	_ =	sdelay $0x3  }
0x33: {  	p0 =	seq.s32 s10, $0x1;
	s10 =	sld [smem:$0x3FB9];
	_ =	sdelay $0x3  }
0x34: {  	[smem:$0x3FB9] =	sst s10  }
0x35: {  	s10 =	sld [smem:$0x3FB8];
	_ =	sdelay $0x3  }
0x36: {  	p1 =	seq.s32 s10, $0x1;
	s10 =	sld [smem:$0x3FB9];
	_ =	sdelay $0x3  }
0x37: {  	[smem:$0x3FB9] =	sst s10  }
0x38: {  	s10 =	sld [smem:$0x3FBA]  }
0x39: {  	_ = 	snop;
	(pc) =	sbr.ind lr, $3  }
0x3a: {  	_ = 	snop  }
0x3b: {  	_ = 	snop  }
0x3c: {  	p2 =	seq.s32 s10, $0x1;
	s10 =	sld [smem:$0x3FB9]  }
0x3d: {  	_ =	shalt  }
0x3e: {  	_ =	shalt  }
0x3f: {  	_ =	shalt  }
0x40: {  	_ =	shalt  }
0x41: {  	_ =	shalt  }
0x42: {  	_ =	shalt  }
0x43: {  	_ =	shalt  }
0x44: {  	_ =	shalt  }
0x45: {  	_ =	shalt  }
0x46: {  	_ =	shalt  }
0x47: {  	_ =	shalt  }
0x48: {  	_ =	shalt  }
0x49: {  	_ =	shalt  }
0x4a: {  	_ =	shalt  }
0x4b: {  	_ =	shalt  }
0x4c: {  	_ =	shalt  }
0x4d: {  	_ =	shalt  }
0x4e: {  	_ =	shalt  }
0x4f: {  	_ =	shalt  }
0x50: {  	_ =	shalt  }
0x51: {  	_ =	shalt  }
0x52: {  	_ =	shalt  }
0x53: {  	_ =	shalt  }
0x54: {  	_ =	shalt  }
0x55: {  	_ =	shalt  }
0x56: {  	_ =	shalt  }
0x57: {  	_ =	shalt  }
0x58: {  	_ =	shalt  }
0x59: {  	_ =	shalt  }
0x5a: {  	_ =	shalt  }
0x5b: {  	_ =	shalt  }
0x5c: {  	_ =	shalt  }
0x5d: {  	_ =	shalt  }
0x5e: {  	_ =	shalt  }
0x5f: {  	_ =	shalt  }
0x60: {  	_ =	shalt  }
0x61: {  	_ =	shalt  }
0x62: {  	_ =	shalt  }
0x63: {  	_ =	shalt  }
0x64: {  	_ =	shalt  }
0x65: {  	_ =	shalt  }
0x66: {  	_ =	shalt  }
0x67: {  	_ =	shalt  }
0x68: {  	_ =	shalt  }
0x69: {  	_ =	shalt  }
0x6a: {  	_ =	shalt  }
0x6b: {  	_ =	shalt  }
0x6c: {  	_ =	shalt  }
0x6d: {  	_ =	shalt  }
0x6e: {  	_ =	shalt  }
0x6f: {  	_ =	shalt  }
0x70: {  	_ =	shalt  }
0x71: {  	_ =	shalt  }
0x72: {  	_ =	shalt  }
0x73: {  	_ =	shalt  }
0x74: {  	_ =	shalt  }
0x75: {  	_ =	shalt  }
0x76: {  	_ =	shalt  }
0x77: {  	_ =	shalt  }
0x78: {  	_ =	shalt  }
0x79: {  	_ =	shalt  }
0x7a: {  	_ =	shalt  }
0x7b: {  	_ =	shalt  }
0x7c: {  	_ =	shalt  }
0x7d: {  	_ =	shalt  }
0x7e: {  	_ =	shalt  }
0x7f: {  	_ =	shalt  }
0x80: {  	_ =	shalt  }
0x81: {  	_ =	shalt  }
0x82: {  	_ =	shalt  }
0x83: {  	_ =	shalt  }
0x84: {  	_ =	shalt  }
0x85: {  	_ =	shalt  }
0x86: {  	_ =	shalt  }
0x87: {  	_ =	shalt  }
.Lfunc_end0:
.L_simem_size_0:
called_computation_lowered:
.L_overlay_start_0:
0x88: {  	s2 =	sld [smem:$0x3FD9]  }
0x89: {  	s3 =	sld [smem:$0x3FFE];
	_ =	sdelay $0x1  }
0x8a: {  	s1 =	srdreg.scid  }
0x8b: {  	s0 =	sand.u32 $0x1, s1  }
0x8c: {  	s17 =	sshll.u32 s0, $0xA;
	s2 =	sadd.s32 s3, s2  }
0x8d: {  	s2 =	sadd.s32 s2, s17  }
0x8e: {  	[smem:$0x3FC5] =	sst s2  }
0x8f: {  	_ = 	snop  }
0x90: {  	s2 =	sld [smem:$0x3FC8]  }
0x91: {  	s18 =	sld [smem:$0x3FC7]  }
0x92: {  	s4 =	sld [smem:$0x3FD0];
	(tm) =	ssettm $0x1  }
0x93: {  	s5 =	sld [smem:$0x3FFB];
	_ =	sdelay $0x3  }
0x94: {  	_ =	strace s5  }
0x95: {  	s5 =	sld [smem:$0x3FFC];
	_ =	sdelay $0x3  }
0x96: {  	_ =	strace s5  }
0x97: {  	s5 =	sld [smem:$0x3FFD];
	_ =	sdelay $0x3  }
0x98: {  	_ =	strace s5  }
0x99: {  	_ =	strace $0x8FFFFFFF  }
0x9a: {  	s19 =	sld [smem:$0x3FDB];
	_ =	sdelay $0x1  }
0x9b: {  	s6 =	simm.s32 $_scs_section_size  }
0x9c: {  	s7 =	simm.s32 $_size__tile_overlayer_lowered;
	s8 =	simm.s32 $_tile_overlayer_lowered  }
0x9d: {  	s22 =	simm.s32 $0x1BFF;
	s21 =	sshll.u32 s8, $0x1;
	s5 =	sadd.s32 s6, s19  }
0x9e: {  	s9 =	simm.s32 $0x0;
	s20 =	sshll.u32 s7, $0x1;
	s7 =	sadd.s32 s21, s5  }
0x9f: {  	[timem:s9], [sflag:s22] =	dma.local [hbm:s7], s20  }
0xa0: {  	_ =	swait.ge [sflag:s22], s20  }
0xa1: {  	s6 =	ssub.s32 $0x0, s20;
	[sflag:s22] =	ssyncset.done $0x0  }
0xa2: {  	[sflag:s22] =	ssyncadd.s32 s6;
	_ =	sdelay $0x1  }
0xa3: {  	s23 =	simm.s32 $0x1B8B  }
0xa4: {  	_ =	swait.ge [sflag:s23], $0x1  }
0xa5: {  	[sflag:s23] =	ssyncset.done $0x0  }
0xa6: {  	s25 =	simm.s32 $0x1B8E;
	s24 =	sld [smem:$0x3FFE];
	[sflag:s23] =	ssyncadd.s32 $0xFFFFFFFF  }
0xa7: {  	s26 =	simm.s32 $execute0_lowered;
	[smem:$0x3FD2] =	sst s25  }
0xa8: {  	s7 =	sshll.u32 s26, $0x1;
	_ =	strace $0x80000046;
	[dreg:$0x1] =	wrdreg $0xFFFFFFFF  }
0xa9: {  	s28 =	simm.s32 $_size_execute0_lowered;
	s5 =	sadd.s32 s5, s7;
	[dreg:$0x0] =	wrdreg $0x0  }
0xaa: {  	s7 =	sshll.u32 s28, $0x1;
	[dreg:$0x2] =	wrdreg s5  }
0xab: {  	[dreg:$0x3] =	wrdreg s7  }
0xac: {  	[dreg:$0x4] =	wrdreg $0xC0  }
0xad: {  	_ =	task [dreg:s9], $0x5FFFF  }
0xae: {  	[dreg:$0x1] =	wrdreg $0xFFFFFFFF  }
0xaf: {  	[dreg:$0x0] =	wrdreg $0x60  }
0xb0: {  	[dreg:$0x2] =	wrdreg s24  }
0xb1: {  	[dreg:$0x3] =	wrdreg s2  }
0xb2: {  	[dreg:$0x4] =	wrdreg s18  }
0xb3: {  	[dreg:$0x5] =	wrdreg s4  }
0xb4: {  	[dreg:$0x6] =	wrdreg $0x9  }
0xb5: {  	_ =	task.clear_ibuf [dreg:s9], $0x7FFFF;
	_ =	strace $0x90000046  }
0xb6: {  	s29 =	simm.s32 $0x9;
	_ =	strace $0x80000048  }
0xb7: {  	_ =	swait.ge [sflag:s29], $0x1  }
0xb8: {  	[sflag:s29] =	ssyncadd.s32 $0xFFFFFFFF  }
0xb9: {  	_ =	strace $0x90000048  }
0xba: {  	_ =	sfence  }
0xbb: {  	s30 =	sld [smem:$0x0];
	_ =	sdelay $0x2  }
0xbc: {  	s31 =	sshll.u32 s1, $0xD;
	s1 =	sshrl.u32 s1, $0x2  }
0xbd: {  	s3 =	sand.u32 $0x4000, s31;
	s1 =	sadd.s32 s1, s30  }
0xbe: {  	s0 =	sor.u32 s3, s0;
	s1 =	sshll.u32 s1, $0x11  }
0xbf: {  	s0 =	sor.u32 s1, s0  }
0xc0: {  	s0 =	sadd.s32 $0x8F2B, s0  }
0xc1: {  	[sflag:s0] =	ssyncadd.remote.s32 $0x1  }
0xc2: {  	_ =	sfence.sel $0xFFFF  }
0xc3: {  	[dreg:$0x0] =	wrdreg $0xFFFFFFFF;
	(pc) =	sbr.abs _section_cstart, $3  }
0xc4: {  	[dreg:$0x1] =	wrdreg $0xFFFFFFFF  }
0xc5: {  	_ =	task.clear_ibuf [dreg:s9], $0x2FFFF;
	_ =	strace $0x9FFFFFFF  }
0xc6: {  	(tm) =	ssettm $0x7FFFFFFF  }
0xc7: {  	_ =	shalt  }
tec
execute0_lowered:
.L_overlay_start_1:
0x0: {  	(tag) =	ssettag $0x1  }
0x1: {  	s0 =	rddreg [dreg:$0x0]  }
0x2: {  	s1 =	rddreg [dreg:$0x1];
	s4 =	simm.s32 $0x0;
	s2 =	srdreg.scid  }
0x3: {  	s5 =	stileid.u32;
	s13 =	simm.s32 $0x7;
	s16 =	simm.s32 $0xD900  }
0x4: {  	s22 =	simm.s32 $0x1B100;
	s23 =	simm.s32 $0x1B900;
	s24 =	simm.s32 $0x1C100  }
0x5: {  	s25 =	simm.s32 $0x1;
	s26 =	simm.s32 $0x2;
	s28 =	simm.s32 $0x3  }
0x6: {  	[smem:$0x7FF] =	sst s4;
	s6 =	sadd.s32 $0xC00, s0;
	s2 =	sand.u32 $0x1, s2  }
0x7: {  	s7 =	sadd.s32 $0x4C00, s0;
	s8 =	sadd.s32 $0x8C00, s0;
	s31 =	ssub.s32 $0x2, s2  }
0x8: {  	s5 =	sshll.u32 s5, $0x6;
	s10 =	sadd.s32 $0x100, s1;
	s3 =	sshrl.u32 s31, $0x1  }
0x9: {  	v2 =	vlaneseq.u32;
	s11 =	sadd.s32 $0x200, s1;
	s2 =	sshll.u32 s2, $0x5;
	s0 =	ssub.s32 s31, s3  }
0xa: {  	vm0 =	vmmov $0xffff;
	v1 =	vshrl.u32 v2, $0x3;
	_ =	strace $0x80000047;
	s9 =	sor.u32 s2, s5;
	s0 =	smax.u32 s0, $0x1  }
0xb: {  	v0 =	vand.u32 $0x7, v2;
	v2 =	vor.u32 $0x8, v2;
	v1 =	vmul.u32 $0x8, v1;
	s5 =	simm.s32 $0x0;
	[dreg:$0x5] =	wrdreg s0;
	s0 =	simm.s32 $0x15100  }
.LBB2_1:
0xc: {  	[dreg:$0x6] =	wrdreg s5  }
0xd: {  	s2 =	rddreg [dreg:$0x2]  }
0xe: {  	[tilespmem:s4], [sflag:$0x7] =	stream.linear.gather [hbm4b:s2+s4], $0xD800, $0x38;
	[tilespmem:$0x1C900] =	vst v63  }
0xf: {  	_ =	swait.ge [sflag:s13], $0xD800  }
0x10: {  	[sflag:s13] =	ssyncset.done $0x0  }
0x11: {  	s29 =	simm.s32 $0x0;
	[sflag:s13] =	ssyncadd.s32 $0xFFFF2800  }
.LBB2_2:
0x12: {  	s30 =	sadd.s32 s9, s29  }
0x13: {  	s3 =	sshll.u32 s29, $0x4;
	s2 =	sshll.u32 s30, $0x4  }
0x14: {  	s3 =	sand.u32 $0x70, s3;
	s2 =	sand.u32 $0x3F80, s2  }
0x15: {  	s2 =	sor.u32 s3, s2  }
0x16: {  	s5 =	simm.s32 $0xD800;
	s3 =	sadd.s32 s6, s2  }
0x17: {  	[tilespmem:s5], [sflag:$0x7] =	stream.linear.gather [hbm4b:s3+s4], $0x80, $0x38;
	[tilespmem:$0x1C900] =	vst v63  }
0x18: {  	_ =	swait.ge [sflag:s13], $0x80  }
0x19: {  	[sflag:s13] =	ssyncset.done $0x0  }
0x1a: {  	s14 =	simm.s32 $0xD880;
	s2 =	sadd.s32 s7, s2;
	[sflag:s13] =	ssyncadd.s32 $0xFFFFFF80  }
0x1b: {  	[tilespmem:s14], [sflag:$0x7] =	stream.linear.gather [hbm4b:s2+s4], $0x80, $0x38;
	[tilespmem:$0x1C900] =	vst v63  }
0x1c: {  	_ =	swait.ge [sflag:s13], $0x80  }
0x1d: {  	p0 =	seq.s32 s29, $0x0;
	[sflag:s13] =	ssyncset.done $0x0  }
0x1e: {  	s2 =	simm.s32 @!p0 $0x4;
	[sflag:s13] =	ssyncadd.s32 $0xFFFFFF80  }
0x1f: {  	_ =	swait.ge @!p0 [sflag:s2], $0x7800  }
0x20: {  	[sflag:s2] =	ssyncset.done @!p0 $0x0  }
0x21: {  	[sflag:s2] =	ssyncadd.s32 @!p0 $0xFFFF8800;
	s2 =	simm.s32 @!p0 $0x5  }
0x22: {  	_ =	swait.ge @!p0 [sflag:s2], $0x6000  }
0x23: {  	[sflag:s2] =	ssyncset.done @!p0 $0x0  }
0x24: {  	[sflag:s2] =	ssyncadd.s32 @!p0 $0xFFFFA000;
	s2 =	simm.s32 @!p0 $0x6  }
0x25: {  	_ =	swait.ge @!p0 [sflag:s2], $0x1800  }
0x26: {  	[sflag:s2] =	ssyncset.done @!p0 $0x0  }
0x27: {  	[sflag:s2] =	ssyncadd.s32 @!p0 $0xFFFFE800  }
0x28: {  	v3 =	vld [tilespmem:$0xD800];
	_ =	sdelay $0x4  }
0x29: {  	v4 =	vshrl.u32 v3, $0x3  }
0x2a: {  	v4 =	vmul.u32 $0x30, v4  }
0x2b: {  	v3 =	vand.u32 $0x7, v3  }
0x2c: {  	v3 =	vor.u32 v3, v4  }
0x2d: {  	v4 =	vperm.xlane v3, v0;
	_ =	sdelay $0x1  }
0x2e: {  	v4 =	vadd.s32 v1, v4;
	_ =	sdelay $0x3  }
0x2f: {  	s2 =	simm.s32 $0x0;
	v3 =	vperm.xlane v3, v2  }
0x30: {  	[tilespmem:s16], [sflag:$0x1] =	stream.indirect_vreg.gather [hbm4b:s1+s2], $0x80, v4, vm0, $0xb8;
	[tilespmem:$0x1C900] =	vst v63  }
0x31: {  	s15 =	simm.s32 $0xE100;
	v3 =	vadd.s32 v1, v3  }
0x32: {  	[tilespmem:s15], [sflag:$0x1] =	stream.indirect_vreg.gather [hbm4b:s10+s2], $0x80, v4, vm0, $0xb8;
	[tilespmem:$0x1C900] =	vst v63  }
0x33: {  	s17 =	simm.s32 $0xE900  }
0x34: {  	[tilespmem:s17], [sflag:$0x1] =	stream.indirect_vreg.gather [hbm4b:s11+s2], $0x80, v4, vm0, $0xb8;
	[tilespmem:$0x1C900] =	vst v63  }
0x35: {  	s18 =	simm.s32 $0xF100  }
0x36: {  	[tilespmem:s18], [sflag:$0x1] =	stream.indirect_vreg.gather [hbm4b:s1+s2], $0x80, v3, vm0, $0xb8;
	[tilespmem:$0x1C900] =	vst v63  }
0x37: {  	s19 =	simm.s32 $0xF900  }
0x38: {  	[tilespmem:s19], [sflag:$0x1] =	stream.indirect_vreg.gather [hbm4b:s10+s2], $0x80, v3, vm0, $0xb8;
	[tilespmem:$0x1C900] =	vst v63  }
0x39: {  	s20 =	simm.s32 $0x10100  }
0x3a: {  	[tilespmem:s20], [sflag:$0x1] =	stream.indirect_vreg.gather [hbm4b:s11+s2], $0x80, v3, vm0, $0xb8;
	[tilespmem:$0x1C900] =	vst v63  }
0x3b: {  	v3 =	vld [tilespmem:$0xD810];
	_ =	sdelay $0x4  }
0x3c: {  	v4 =	vshrl.u32 v3, $0x3  }
0x3d: {  	v4 =	vmul.u32 $0x30, v4  }
0x3e: {  	v3 =	vand.u32 $0x7, v3  }
0x3f: {  	v3 =	vor.u32 v3, v4  }
0x40: {  	v4 =	vperm.xlane v3, v0;
	_ =	sdelay $0x1  }
0x41: {  	v4 =	vadd.s32 v1, v4;
	_ =	sdelay $0x3  }
0x42: {  	s21 =	simm.s32 $0x10900;
	v3 =	vperm.xlane v3, v2  }
0x43: {  	[tilespmem:s21], [sflag:$0x1] =	stream.indirect_vreg.gather [hbm4b:s1+s2], $0x80, v4, vm0, $0xb8;
	[tilespmem:$0x1C900] =	vst v63  }
0x44: {  	s31 =	simm.s32 $0x11100;
	v3 =	vadd.s32 v1, v3  }
0x45: {  	[tilespmem:s31], [sflag:$0x1] =	stream.indirect_vreg.gather [hbm4b:s10+s2], $0x80, v4, vm0, $0xb8;
	[tilespmem:$0x1C900] =	vst v63  }
0x46: {  	s5 =	simm.s32 $0x11900  }
0x47: {  	[tilespmem:s5], [sflag:$0x1] =	stream.indirect_vreg.gather [hbm4b:s11+s2], $0x80, v4, vm0, $0xb8;
	[tilespmem:$0x1C900] =	vst v63  }
0x48: {  	s12 =	simm.s32 $0x12100  }
0x49: {  	[tilespmem:s12], [sflag:$0x1] =	stream.indirect_vreg.gather [hbm4b:s1+s2], $0x80, v3, vm0, $0xb8;
	[tilespmem:$0x1C900] =	vst v63  }
0x4a: {  	s14 =	simm.s32 $0x12900  }
0x4b: {  	[tilespmem:s14], [sflag:$0x1] =	stream.indirect_vreg.gather [hbm4b:s10+s2], $0x80, v3, vm0, $0xb8;
	[tilespmem:$0x1C900] =	vst v63  }
0x4c: {  	s15 =	simm.s32 $0x13100  }
0x4d: {  	[tilespmem:s15], [sflag:$0x1] =	stream.indirect_vreg.gather [hbm4b:s11+s2], $0x80, v3, vm0, $0xb8;
	[tilespmem:$0x1C900] =	vst v63  }
0x4e: {  	v3 =	vld.msk [tilespmem:$0xD820], $0xff;
	_ =	sdelay $0x4  }
0x4f: {  	v4 =	vshrl.u32 v3, $0x3  }
0x50: {  	v4 =	vmul.u32 $0x30, v4  }
0x51: {  	v3 =	vand.u32 $0x7, v3  }
0x52: {  	v3 =	vor.u32 v3, v4  }
0x53: {  	v3 =	vperm.xlane v3, v0;
	_ =	sdelay $0x1  }
0x54: {  	v3 =	vadd.s32 v1, v3;
	_ =	sdelay $0x3  }
0x55: {  	s17 =	simm.s32 $0x13900  }
0x56: {  	[tilespmem:s17], [sflag:$0x1] =	stream.indirect_vreg.gather [hbm4b:s1+s2], $0x80, v3, vm0, $0xb8;
	[tilespmem:$0x1C900] =	vst v63  }
0x57: {  	s18 =	simm.s32 $0x14100  }
0x58: {  	[tilespmem:s18], [sflag:$0x1] =	stream.indirect_vreg.gather [hbm4b:s10+s2], $0x80, v3, vm0, $0xb8;
	[tilespmem:$0x1C900] =	vst v63  }
0x59: {  	s19 =	simm.s32 $0x14900  }
0x5a: {  	[tilespmem:s19], [sflag:$0x1] =	stream.indirect_vreg.gather [hbm4b:s11+s2], $0x80, v3, vm0, $0xb8;
	[tilespmem:$0x1C900] =	vst v63  }
0x5b: {  	v3 =	vld [tilespmem:$0xD828];
	_ =	sdelay $0x4  }
0x5c: {  	v4 =	vshrl.u32 v3, $0x3  }
0x5d: {  	v4 =	vmul.u32 $0x30, v4  }
0x5e: {  	v3 =	vand.u32 $0x7, v3  }
0x5f: {  	v3 =	vor.u32 v3, v4  }
0x60: {  	v4 =	vperm.xlane v3, v0;
	_ =	sdelay $0x1  }
0x61: {  	v4 =	vadd.s32 v1, v4;
	_ =	sdelay $0x3  }
0x62: {  	v3 =	vperm.xlane v3, v2  }
0x63: {  	[tilespmem:s0], [sflag:$0x2] =	stream.indirect_vreg.gather [hbm4b:s1+s2], $0x80, v4, vm0, $0xb8;
	[tilespmem:$0x1C900] =	vst v63  }
0x64: {  	s20 =	simm.s32 $0x15900;
	v3 =	vadd.s32 v1, v3  }
0x65: {  	[tilespmem:s20], [sflag:$0x2] =	stream.indirect_vreg.gather [hbm4b:s10+s2], $0x80, v4, vm0, $0xb8;
	[tilespmem:$0x1C900] =	vst v63  }
0x66: {  	s21 =	simm.s32 $0x16100  }
0x67: {  	[tilespmem:s21], [sflag:$0x2] =	stream.indirect_vreg.gather [hbm4b:s11+s2], $0x80, v4, vm0, $0xb8;
	[tilespmem:$0x1C900] =	vst v63  }
0x68: {  	s31 =	simm.s32 $0x16900  }
0x69: {  	[tilespmem:s31], [sflag:$0x2] =	stream.indirect_vreg.gather [hbm4b:s1+s2], $0x80, v3, vm0, $0xb8;
	[tilespmem:$0x1C900] =	vst v63  }
0x6a: {  	s5 =	simm.s32 $0x17100  }
0x6b: {  	[tilespmem:s5], [sflag:$0x2] =	stream.indirect_vreg.gather [hbm4b:s10+s2], $0x80, v3, vm0, $0xb8;
	[tilespmem:$0x1C900] =	vst v63  }
0x6c: {  	s12 =	simm.s32 $0x17900  }
0x6d: {  	[tilespmem:s12], [sflag:$0x2] =	stream.indirect_vreg.gather [hbm4b:s11+s2], $0x80, v3, vm0, $0xb8;
	[tilespmem:$0x1C900] =	vst v63  }
0x6e: {  	v3 =	vld [tilespmem:$0xD838];
	_ =	sdelay $0x4  }
0x6f: {  	v4 =	vshrl.u32 v3, $0x3  }
0x70: {  	v4 =	vmul.u32 $0x30, v4  }
0x71: {  	v3 =	vand.u32 $0x7, v3  }
0x72: {  	v3 =	vor.u32 v3, v4  }
0x73: {  	v4 =	vperm.xlane v3, v0;
	_ =	sdelay $0x1  }
0x74: {  	v4 =	vadd.s32 v1, v4;
	_ =	sdelay $0x3  }
0x75: {  	s14 =	simm.s32 $0x18100;
	v3 =	vperm.xlane v3, v2  }
0x76: {  	[tilespmem:s14], [sflag:$0x2] =	stream.indirect_vreg.gather [hbm4b:s1+s2], $0x80, v4, vm0, $0xb8;
	[tilespmem:$0x1C900] =	vst v63  }
0x77: {  	s15 =	simm.s32 $0x18900;
	v3 =	vadd.s32 v1, v3  }
0x78: {  	[tilespmem:s15], [sflag:$0x2] =	stream.indirect_vreg.gather [hbm4b:s10+s2], $0x80, v4, vm0, $0xb8;
	[tilespmem:$0x1C900] =	vst v63  }
0x79: {  	s17 =	simm.s32 $0x19100  }
0x7a: {  	[tilespmem:s17], [sflag:$0x2] =	stream.indirect_vreg.gather [hbm4b:s11+s2], $0x80, v4, vm0, $0xb8;
	[tilespmem:$0x1C900] =	vst v63  }
0x7b: {  	s18 =	simm.s32 $0x19900  }
0x7c: {  	[tilespmem:s18], [sflag:$0x2] =	stream.indirect_vreg.gather [hbm4b:s1+s2], $0x80, v3, vm0, $0xb8;
	[tilespmem:$0x1C900] =	vst v63  }
0x7d: {  	s19 =	simm.s32 $0x1A100  }
0x7e: {  	[tilespmem:s19], [sflag:$0x2] =	stream.indirect_vreg.gather [hbm4b:s10+s2], $0x80, v3, vm0, $0xb8;
	[tilespmem:$0x1C900] =	vst v63  }
0x7f: {  	s20 =	simm.s32 $0x1A900  }
0x80: {  	[tilespmem:s20], [sflag:$0x2] =	stream.indirect_vreg.gather [hbm4b:s11+s2], $0x80, v3, vm0, $0xb8;
	[tilespmem:$0x1C900] =	vst v63  }
0x81: {  	v3 =	vld.msk [tilespmem:$0xD880], $0xff;
	_ =	sdelay $0x4  }
0x82: {  	v4 =	vshrl.u32 v3, $0x3  }
0x83: {  	v4 =	vmul.u32 $0x30, v4  }
0x84: {  	v3 =	vand.u32 $0x7, v3  }
0x85: {  	v3 =	vor.u32 v3, v4  }
0x86: {  	v3 =	vperm.xlane v3, v0;
	_ =	sdelay $0x1  }
0x87: {  	v3 =	vadd.s32 v1, v3;
	_ =	sdelay $0x4  }
0x88: {  	[tilespmem:s22], [sflag:$0x3] =	stream.indirect_vreg.gather [hbm4b:s1+s2], $0x80, v3, vm0, $0xb8;
	[tilespmem:$0x1C900] =	vst v63  }
0x89: {  	_ = 	snop  }
0x8a: {  	[tilespmem:s23], [sflag:$0x3] =	stream.indirect_vreg.gather [hbm4b:s10+s2], $0x80, v3, vm0, $0xb8;
	[tilespmem:$0x1C900] =	vst v63  }
0x8b: {  	s21 =	simm.s32 $0x0  }
0x8c: {  	[tilespmem:s24], [sflag:$0x3] =	stream.indirect_vreg.gather [hbm4b:s11+s2], $0x80, v3, vm0, $0xb8;
	[tilespmem:$0x1C900] =	vst v63  }
0x8d: {  	s3 =	smul.u32 $0x1800, s21;
	_ =	swait.ge [sflag:s25], $0x7800  }
0x8e: {  	s31 =	sand.u32 $0x380, s2;
	[sflag:s25] =	ssyncset.done $0x0  }
0x8f: {  	s3 =	sor.u32 s31, s3;
	[sflag:s25] =	ssyncadd.s32 $0xFFFF8800  }
0x90: {  	v3 =	vld [tilespmem:s3+$0x1470]  }
0x91: {  	v6 =	vld [tilespmem:s3+$0x0]  }
0x92: {  	v7 =	vld [tilespmem:s3+$0x10]  }
0x93: {  	v8 =	vld [tilespmem:s3+$0x20]  }
0x94: {  	v9 =	vld [tilespmem:s3+$0x30]  }
0x95: {  	v10 =	vld [tilespmem:s3+$0x40]  }
0x96: {  	v11 =	vld [tilespmem:s3+$0x50]  }
0x97: {  	v12 =	vld [tilespmem:s3+$0x60]  }
0x98: {  	v13 =	vld [tilespmem:s3+$0x70]  }
0x99: {  	v14 =	vld [tilespmem:s3+$0x400]  }
0x9a: {  	v15 =	vld [tilespmem:s3+$0x410]  }
0x9b: {  	v16 =	vld [tilespmem:s3+$0x420]  }
0x9c: {  	v17 =	vld [tilespmem:s3+$0x430]  }
0x9d: {  	v18 =	vld [tilespmem:s3+$0x440]  }
0x9e: {  	v19 =	vld [tilespmem:s3+$0x450]  }
0x9f: {  	v20 =	vld [tilespmem:s3+$0x460]  }
0xa0: {  	v21 =	vld [tilespmem:s3+$0x470]  }
0xa1: {  	v22 =	vld [tilespmem:s3+$0x800]  }
0xa2: {  	v23 =	vld [tilespmem:s3+$0x810]  }
0xa3: {  	v24 =	vld [tilespmem:s3+$0x820]  }
0xa4: {  	v25 =	vld [tilespmem:s3+$0x830]  }
0xa5: {  	v26 =	vld [tilespmem:s3+$0x840]  }
0xa6: {  	v27 =	vld [tilespmem:s3+$0x850]  }
0xa7: {  	v28 =	vld [tilespmem:s3+$0x860]  }
0xa8: {  	v29 =	vld [tilespmem:s3+$0x870]  }
0xa9: {  	v30 =	vld [tilespmem:s3+$0xC00]  }
0xaa: {  	v31 =	vld [tilespmem:s3+$0xC10]  }
0xab: {  	v32 =	vld [tilespmem:s3+$0xC20]  }
0xac: {  	v33 =	vld [tilespmem:s3+$0xC30]  }
0xad: {  	v34 =	vld [tilespmem:s3+$0xC40]  }
0xae: {  	v35 =	vld [tilespmem:s3+$0xC50]  }
0xaf: {  	v36 =	vld [tilespmem:s3+$0xC60]  }
0xb0: {  	v37 =	vld [tilespmem:s3+$0xC70]  }
0xb1: {  	v38 =	vld [tilespmem:s3+$0x1000]  }
0xb2: {  	v39 =	vld [tilespmem:s3+$0x1010]  }
0xb3: {  	v40 =	vld [tilespmem:s3+$0x1020]  }
0xb4: {  	v41 =	vld [tilespmem:s3+$0x1030]  }
0xb5: {  	v42 =	vld [tilespmem:s3+$0x1040]  }
0xb6: {  	v43 =	vld [tilespmem:s3+$0x1050]  }
0xb7: {  	v44 =	vld [tilespmem:s3+$0x1060]  }
0xb8: {  	v45 =	vld [tilespmem:s3+$0x1070]  }
0xb9: {  	v46 =	vld [tilespmem:s3+$0x1400]  }
0xba: {  	v47 =	vld [tilespmem:s3+$0x1410]  }
0xbb: {  	v48 =	vld [tilespmem:s3+$0x1420]  }
0xbc: {  	v49 =	vld [tilespmem:s3+$0x1430]  }
0xbd: {  	v5 =	vld [tilespmem:s3+$0x1440]  }
0xbe: {  	v4 =	vld [tilespmem:s3+$0x1450]  }
0xbf: {  	[tilespmem:s3+$0xED70] =	vst.add.f32.msk $0xffff, v3  }
0xc0: {  	v3 =	vld [tilespmem:s3+$0x1460]  }
0xc1: {  	[tilespmem:s3+$0xD900] =	vst.add.f32.msk $0xffff, v6  }
0xc2: {  	[tilespmem:s3+$0xD910] =	vst.add.f32.msk $0xffff, v7  }
0xc3: {  	[tilespmem:s3+$0xD920] =	vst.add.f32.msk $0xffff, v8  }
0xc4: {  	[tilespmem:s3+$0xD930] =	vst.add.f32.msk $0xffff, v9  }
0xc5: {  	[tilespmem:s3+$0xD940] =	vst.add.f32.msk $0xffff, v10  }
0xc6: {  	[tilespmem:s3+$0xD950] =	vst.add.f32.msk $0xffff, v11  }
0xc7: {  	[tilespmem:s3+$0xD960] =	vst.add.f32.msk $0xffff, v12  }
0xc8: {  	[tilespmem:s3+$0xD970] =	vst.add.f32.msk $0xffff, v13  }
0xc9: {  	[tilespmem:s3+$0xDD00] =	vst.add.f32.msk $0xffff, v14  }
0xca: {  	[tilespmem:s3+$0xDD10] =	vst.add.f32.msk $0xffff, v15  }
0xcb: {  	[tilespmem:s3+$0xDD20] =	vst.add.f32.msk $0xffff, v16  }
0xcc: {  	[tilespmem:s3+$0xDD30] =	vst.add.f32.msk $0xffff, v17  }
0xcd: {  	[tilespmem:s3+$0xDD40] =	vst.add.f32.msk $0xffff, v18  }
0xce: {  	[tilespmem:s3+$0xDD50] =	vst.add.f32.msk $0xffff, v19  }
0xcf: {  	[tilespmem:s3+$0xDD60] =	vst.add.f32.msk $0xffff, v20  }
0xd0: {  	[tilespmem:s3+$0xDD70] =	vst.add.f32.msk $0xffff, v21  }
0xd1: {  	[tilespmem:s3+$0xE100] =	vst.add.f32.msk $0xffff, v22  }
0xd2: {  	[tilespmem:s3+$0xE110] =	vst.add.f32.msk $0xffff, v23  }
0xd3: {  	[tilespmem:s3+$0xE120] =	vst.add.f32.msk $0xffff, v24  }
0xd4: {  	[tilespmem:s3+$0xE130] =	vst.add.f32.msk $0xffff, v25  }
0xd5: {  	[tilespmem:s3+$0xE140] =	vst.add.f32.msk $0xffff, v26  }
0xd6: {  	[tilespmem:s3+$0xE150] =	vst.add.f32.msk $0xffff, v27  }
0xd7: {  	[tilespmem:s3+$0xE160] =	vst.add.f32.msk $0xffff, v28  }
0xd8: {  	[tilespmem:s3+$0xE170] =	vst.add.f32.msk $0xffff, v29  }
0xd9: {  	[tilespmem:s3+$0xE500] =	vst.add.f32.msk $0xffff, v30  }
0xda: {  	[tilespmem:s3+$0xE510] =	vst.add.f32.msk $0xffff, v31  }
0xdb: {  	[tilespmem:s3+$0xE520] =	vst.add.f32.msk $0xffff, v32  }
0xdc: {  	[tilespmem:s3+$0xE530] =	vst.add.f32.msk $0xffff, v33  }
0xdd: {  	[tilespmem:s3+$0xE540] =	vst.add.f32.msk $0xffff, v34  }
0xde: {  	[tilespmem:s3+$0xE550] =	vst.add.f32.msk $0xffff, v35  }
0xdf: {  	[tilespmem:s3+$0xE560] =	vst.add.f32.msk $0xffff, v36  }
0xe0: {  	[tilespmem:s3+$0xE570] =	vst.add.f32.msk $0xffff, v37  }
0xe1: {  	[tilespmem:s3+$0xE900] =	vst.add.f32.msk $0xffff, v38  }
0xe2: {  	[tilespmem:s3+$0xE910] =	vst.add.f32.msk $0xffff, v39  }
0xe3: {  	[tilespmem:s3+$0xE920] =	vst.add.f32.msk $0xffff, v40  }
0xe4: {  	[tilespmem:s3+$0xE930] =	vst.add.f32.msk $0xffff, v41  }
0xe5: {  	[tilespmem:s3+$0xE940] =	vst.add.f32.msk $0xffff, v42  }
0xe6: {  	[tilespmem:s3+$0xE950] =	vst.add.f32.msk $0xffff, v43  }
0xe7: {  	[tilespmem:s3+$0xE960] =	vst.add.f32.msk $0xffff, v44  }
0xe8: {  	[tilespmem:s3+$0xE970] =	vst.add.f32.msk $0xffff, v45  }
0xe9: {  	[tilespmem:s3+$0xED00] =	vst.add.f32.msk $0xffff, v46  }
0xea: {  	[tilespmem:s3+$0xED10] =	vst.add.f32.msk $0xffff, v47  }
0xeb: {  	[tilespmem:s3+$0xED20] =	vst.add.f32.msk $0xffff, v48  }
0xec: {  	s5 =	simm.s32 $0x2;
	s12 =	simm.s32 $0x0;
	[tilespmem:s3+$0xED30] =	vst.add.f32.msk $0xffff, v49  }
.LBB2_3:
0xed: {  	p0 =	sne.s32 s5, $0x27;
	s12 =	smul.u32 $0x1800, s12;
	[tilespmem:s3+$0xED40] =	vst.add.f32.msk $0xffff, v5;
	s2 =	sadd.s32 $0x80, s2  }
0xee: {  	s14 =	sand.u32 $0x380, s2;
	[tilespmem:s3+$0xED50] =	vst.add.f32.msk $0xffff, v4  }
0xef: {  	[tilespmem:s3+$0xED60] =	vst.add.f32.msk $0xffff, v3;
	s3 =	sor.u32 s14, s12  }
0xf0: {  	v3 =	vld [tilespmem:s3+$0x1470]  }
0xf1: {  	v6 =	vld [tilespmem:s3+$0x0]  }
0xf2: {  	v7 =	vld [tilespmem:s3+$0x10]  }
0xf3: {  	v8 =	vld [tilespmem:s3+$0x20]  }
0xf4: {  	v9 =	vld [tilespmem:s3+$0x30]  }
0xf5: {  	[tilespmem:s3+$0xED70] =	vst.add.f32.msk $0xffff, v3  }
0xf6: {  	v10 =	vld [tilespmem:s3+$0x40]  }
0xf7: {  	v11 =	vld [tilespmem:s3+$0x50]  }
0xf8: {  	v12 =	vld [tilespmem:s3+$0x60]  }
0xf9: {  	v13 =	vld [tilespmem:s3+$0x70]  }
0xfa: {  	v14 =	vld [tilespmem:s3+$0x400]  }
0xfb: {  	v15 =	vld [tilespmem:s3+$0x410]  }
0xfc: {  	v16 =	vld [tilespmem:s3+$0x420]  }
0xfd: {  	v17 =	vld [tilespmem:s3+$0x430]  }
0xfe: {  	v18 =	vld [tilespmem:s3+$0x440]  }
0xff: {  	v19 =	vld [tilespmem:s3+$0x450]  }
0x100: {  	v20 =	vld [tilespmem:s3+$0x460]  }
0x101: {  	v21 =	vld [tilespmem:s3+$0x470]  }
0x102: {  	v22 =	vld [tilespmem:s3+$0x800]  }
0x103: {  	v23 =	vld [tilespmem:s3+$0x810]  }
0x104: {  	v24 =	vld [tilespmem:s3+$0x820]  }
0x105: {  	v25 =	vld [tilespmem:s3+$0x830]  }
0x106: {  	v26 =	vld [tilespmem:s3+$0x840]  }
0x107: {  	v27 =	vld [tilespmem:s3+$0x850]  }
0x108: {  	v28 =	vld [tilespmem:s3+$0x860]  }
0x109: {  	v29 =	vld [tilespmem:s3+$0x870]  }
0x10a: {  	v30 =	vld [tilespmem:s3+$0xC00]  }
0x10b: {  	v31 =	vld [tilespmem:s3+$0xC10]  }
0x10c: {  	v32 =	vld [tilespmem:s3+$0xC20]  }
0x10d: {  	v33 =	vld [tilespmem:s3+$0xC30]  }
0x10e: {  	v34 =	vld [tilespmem:s3+$0xC40]  }
0x10f: {  	v35 =	vld [tilespmem:s3+$0xC50]  }
0x110: {  	v36 =	vld [tilespmem:s3+$0xC60]  }
0x111: {  	v37 =	vld [tilespmem:s3+$0xC70]  }
0x112: {  	v38 =	vld [tilespmem:s3+$0x1000]  }
0x113: {  	v39 =	vld [tilespmem:s3+$0x1010]  }
0x114: {  	v40 =	vld [tilespmem:s3+$0x1020]  }
0x115: {  	v41 =	vld [tilespmem:s3+$0x1030]  }
0x116: {  	v42 =	vld [tilespmem:s3+$0x1040]  }
0x117: {  	v43 =	vld [tilespmem:s3+$0x1050]  }
0x118: {  	v44 =	vld [tilespmem:s3+$0x1060]  }
0x119: {  	v45 =	vld [tilespmem:s3+$0x1070]  }
0x11a: {  	v46 =	vld [tilespmem:s3+$0x1400]  }
0x11b: {  	v47 =	vld [tilespmem:s3+$0x1410]  }
0x11c: {  	v48 =	vld [tilespmem:s3+$0x1420]  }
0x11d: {  	v49 =	vld [tilespmem:s3+$0x1430]  }
0x11e: {  	v5 =	vld [tilespmem:s3+$0x1440]  }
0x11f: {  	v4 =	vld [tilespmem:s3+$0x1450]  }
0x120: {  	v3 =	vld [tilespmem:s3+$0x1460]  }
0x121: {  	[tilespmem:s3+$0xD900] =	vst.add.f32.msk $0xffff, v6  }
0x122: {  	[tilespmem:s3+$0xD910] =	vst.add.f32.msk $0xffff, v7  }
0x123: {  	[tilespmem:s3+$0xD920] =	vst.add.f32.msk $0xffff, v8  }
0x124: {  	[tilespmem:s3+$0xD930] =	vst.add.f32.msk $0xffff, v9  }
0x125: {  	[tilespmem:s3+$0xD940] =	vst.add.f32.msk $0xffff, v10  }
0x126: {  	[tilespmem:s3+$0xD950] =	vst.add.f32.msk $0xffff, v11  }
0x127: {  	[tilespmem:s3+$0xD960] =	vst.add.f32.msk $0xffff, v12  }
0x128: {  	[tilespmem:s3+$0xD970] =	vst.add.f32.msk $0xffff, v13  }
0x129: {  	[tilespmem:s3+$0xDD00] =	vst.add.f32.msk $0xffff, v14  }
0x12a: {  	[tilespmem:s3+$0xDD10] =	vst.add.f32.msk $0xffff, v15  }
0x12b: {  	[tilespmem:s3+$0xDD20] =	vst.add.f32.msk $0xffff, v16  }
0x12c: {  	[tilespmem:s3+$0xDD30] =	vst.add.f32.msk $0xffff, v17  }
0x12d: {  	[tilespmem:s3+$0xDD40] =	vst.add.f32.msk $0xffff, v18  }
0x12e: {  	[tilespmem:s3+$0xDD50] =	vst.add.f32.msk $0xffff, v19  }
0x12f: {  	[tilespmem:s3+$0xDD60] =	vst.add.f32.msk $0xffff, v20  }
0x130: {  	[tilespmem:s3+$0xDD70] =	vst.add.f32.msk $0xffff, v21  }
0x131: {  	[tilespmem:s3+$0xE100] =	vst.add.f32.msk $0xffff, v22  }
0x132: {  	[tilespmem:s3+$0xE110] =	vst.add.f32.msk $0xffff, v23  }
0x133: {  	[tilespmem:s3+$0xE120] =	vst.add.f32.msk $0xffff, v24  }
0x134: {  	[tilespmem:s3+$0xE130] =	vst.add.f32.msk $0xffff, v25  }
0x135: {  	[tilespmem:s3+$0xE140] =	vst.add.f32.msk $0xffff, v26  }
0x136: {  	[tilespmem:s3+$0xE150] =	vst.add.f32.msk $0xffff, v27  }
0x137: {  	[tilespmem:s3+$0xE160] =	vst.add.f32.msk $0xffff, v28  }
0x138: {  	[tilespmem:s3+$0xE170] =	vst.add.f32.msk $0xffff, v29  }
0x139: {  	[tilespmem:s3+$0xE500] =	vst.add.f32.msk $0xffff, v30  }
0x13a: {  	[tilespmem:s3+$0xE510] =	vst.add.f32.msk $0xffff, v31  }
0x13b: {  	[tilespmem:s3+$0xE520] =	vst.add.f32.msk $0xffff, v32  }
0x13c: {  	[tilespmem:s3+$0xE530] =	vst.add.f32.msk $0xffff, v33  }
0x13d: {  	[tilespmem:s3+$0xE540] =	vst.add.f32.msk $0xffff, v34  }
0x13e: {  	[tilespmem:s3+$0xE550] =	vst.add.f32.msk $0xffff, v35  }
0x13f: {  	[tilespmem:s3+$0xE560] =	vst.add.f32.msk $0xffff, v36  }
0x140: {  	[tilespmem:s3+$0xE570] =	vst.add.f32.msk $0xffff, v37  }
0x141: {  	[tilespmem:s3+$0xE900] =	vst.add.f32.msk $0xffff, v38  }
0x142: {  	[tilespmem:s3+$0xE910] =	vst.add.f32.msk $0xffff, v39  }
0x143: {  	[tilespmem:s3+$0xE920] =	vst.add.f32.msk $0xffff, v40  }
0x144: {  	[tilespmem:s3+$0xE930] =	vst.add.f32.msk $0xffff, v41  }
0x145: {  	[tilespmem:s3+$0xE940] =	vst.add.f32.msk $0xffff, v42  }
0x146: {  	[tilespmem:s3+$0xE950] =	vst.add.f32.msk $0xffff, v43  }
0x147: {  	[tilespmem:s3+$0xE960] =	vst.add.f32.msk $0xffff, v44  }
.Ltmp0:
0x148: {  	[tilespmem:s3+$0xE970] =	vst.add.f32.msk $0xffff, v45;
	(pc) =	sbr.rel @p0 .LBB2_3-.Ltmp0, $4  }
0x149: {  	[tilespmem:s3+$0xED00] =	vst.add.f32.msk $0xffff, v46  }
0x14a: {  	[tilespmem:s3+$0xED10] =	vst.add.f32.msk $0xffff, v47  }
0x14b: {  	[tilespmem:s3+$0xED20] =	vst.add.f32.msk $0xffff, v48  }
0x14c: {  	s12 =	sshrl.u32 s5, $0x3;
	s5 =	sadd.s32 $0x1, s5;
	[tilespmem:s3+$0xED30] =	vst.add.f32.msk $0xffff, v49  }
0x14d: {  	s5 =	smul.u32 $0x1800, s12;
	[tilespmem:s3+$0xED40] =	vst.add.f32.msk $0xffff, v5;
	s2 =	sadd.s32 $0x80, s2  }
0x14e: {  	[tilespmem:s3+$0xED50] =	vst.add.f32.msk $0xffff, v4;
	s2 =	sand.u32 $0x380, s2  }
0x14f: {  	[tilespmem:s3+$0xED60] =	vst.add.f32.msk $0xffff, v3;
	s2 =	sor.u32 s2, s5  }
0x150: {  	v3 =	vld [tilespmem:s2+$0x1470]  }
0x151: {  	v4 =	vld [tilespmem:s2+$0x0]  }
0x152: {  	v5 =	vld [tilespmem:s2+$0x10]  }
0x153: {  	v6 =	vld [tilespmem:s2+$0x20]  }
0x154: {  	v7 =	vld [tilespmem:s2+$0x30]  }
0x155: {  	v8 =	vld [tilespmem:s2+$0x50]  }
0x156: {  	v9 =	vld [tilespmem:s2+$0x60]  }
0x157: {  	v10 =	vld [tilespmem:s2+$0x70]  }
0x158: {  	v11 =	vld [tilespmem:s2+$0x400]  }
0x159: {  	v12 =	vld [tilespmem:s2+$0x410]  }
0x15a: {  	v13 =	vld [tilespmem:s2+$0x420]  }
0x15b: {  	v14 =	vld [tilespmem:s2+$0x430]  }
0x15c: {  	v15 =	vld [tilespmem:s2+$0x440]  }
0x15d: {  	v16 =	vld [tilespmem:s2+$0x450]  }
0x15e: {  	v17 =	vld [tilespmem:s2+$0x460]  }
0x15f: {  	v18 =	vld [tilespmem:s2+$0x470]  }
0x160: {  	v19 =	vld [tilespmem:s2+$0x800]  }
0x161: {  	v20 =	vld [tilespmem:s2+$0x810]  }
0x162: {  	v21 =	vld [tilespmem:s2+$0x820]  }
0x163: {  	v22 =	vld [tilespmem:s2+$0x830]  }
0x164: {  	v23 =	vld [tilespmem:s2+$0x840]  }
0x165: {  	v24 =	vld [tilespmem:s2+$0x850]  }
0x166: {  	v25 =	vld [tilespmem:s2+$0x860]  }
0x167: {  	v26 =	vld [tilespmem:s2+$0x870]  }
0x168: {  	v27 =	vld [tilespmem:s2+$0xC00]  }
0x169: {  	v28 =	vld [tilespmem:s2+$0xC10]  }
0x16a: {  	v29 =	vld [tilespmem:s2+$0xC20]  }
0x16b: {  	v30 =	vld [tilespmem:s2+$0xC30]  }
0x16c: {  	v31 =	vld [tilespmem:s2+$0xC40]  }
0x16d: {  	v32 =	vld [tilespmem:s2+$0xC50]  }
0x16e: {  	v33 =	vld [tilespmem:s2+$0xC60]  }
0x16f: {  	v34 =	vld [tilespmem:s2+$0xC70]  }
0x170: {  	v35 =	vld [tilespmem:s2+$0x1000]  }
0x171: {  	v36 =	vld [tilespmem:s2+$0x1010]  }
0x172: {  	v37 =	vld [tilespmem:s2+$0x1020]  }
0x173: {  	v38 =	vld [tilespmem:s2+$0x1030]  }
0x174: {  	v39 =	vld [tilespmem:s2+$0x1040]  }
0x175: {  	v40 =	vld [tilespmem:s2+$0x1050]  }
0x176: {  	v41 =	vld [tilespmem:s2+$0x1060]  }
0x177: {  	v42 =	vld [tilespmem:s2+$0x1070]  }
0x178: {  	v43 =	vld [tilespmem:s2+$0x1400]  }
0x179: {  	v44 =	vld [tilespmem:s2+$0x1410]  }
0x17a: {  	v45 =	vld [tilespmem:s2+$0x1420]  }
0x17b: {  	v46 =	vld [tilespmem:s2+$0x1430]  }
0x17c: {  	v47 =	vld [tilespmem:s2+$0x1440]  }
0x17d: {  	v48 =	vld [tilespmem:s2+$0x1450]  }
0x17e: {  	v49 =	vld [tilespmem:s2+$0x1460]  }
0x17f: {  	[tilespmem:s2+$0xED70] =	vst.add.f32.msk $0xffff, v3  }
0x180: {  	v3 =	vld [tilespmem:s2+$0x40]  }
0x181: {  	[tilespmem:s2+$0xD900] =	vst.add.f32.msk $0xffff, v4  }
0x182: {  	[tilespmem:s2+$0xD910] =	vst.add.f32.msk $0xffff, v5  }
0x183: {  	[tilespmem:s2+$0xD920] =	vst.add.f32.msk $0xffff, v6  }
0x184: {  	[tilespmem:s2+$0xD930] =	vst.add.f32.msk $0xffff, v7  }
0x185: {  	[tilespmem:s2+$0xD950] =	vst.add.f32.msk $0xffff, v8  }
0x186: {  	[tilespmem:s2+$0xD960] =	vst.add.f32.msk $0xffff, v9  }
0x187: {  	[tilespmem:s2+$0xD970] =	vst.add.f32.msk $0xffff, v10  }
0x188: {  	[tilespmem:s2+$0xDD00] =	vst.add.f32.msk $0xffff, v11  }
0x189: {  	[tilespmem:s2+$0xDD10] =	vst.add.f32.msk $0xffff, v12  }
0x18a: {  	[tilespmem:s2+$0xDD20] =	vst.add.f32.msk $0xffff, v13  }
0x18b: {  	[tilespmem:s2+$0xDD30] =	vst.add.f32.msk $0xffff, v14  }
0x18c: {  	[tilespmem:s2+$0xDD40] =	vst.add.f32.msk $0xffff, v15  }
0x18d: {  	[tilespmem:s2+$0xDD50] =	vst.add.f32.msk $0xffff, v16  }
0x18e: {  	[tilespmem:s2+$0xDD60] =	vst.add.f32.msk $0xffff, v17  }
0x18f: {  	[tilespmem:s2+$0xDD70] =	vst.add.f32.msk $0xffff, v18  }
0x190: {  	[tilespmem:s2+$0xE100] =	vst.add.f32.msk $0xffff, v19  }
0x191: {  	[tilespmem:s2+$0xE110] =	vst.add.f32.msk $0xffff, v20  }
0x192: {  	[tilespmem:s2+$0xE120] =	vst.add.f32.msk $0xffff, v21  }
0x193: {  	[tilespmem:s2+$0xE130] =	vst.add.f32.msk $0xffff, v22  }
0x194: {  	[tilespmem:s2+$0xE140] =	vst.add.f32.msk $0xffff, v23  }
0x195: {  	[tilespmem:s2+$0xE150] =	vst.add.f32.msk $0xffff, v24  }
0x196: {  	[tilespmem:s2+$0xE160] =	vst.add.f32.msk $0xffff, v25  }
0x197: {  	[tilespmem:s2+$0xE170] =	vst.add.f32.msk $0xffff, v26  }
0x198: {  	[tilespmem:s2+$0xE500] =	vst.add.f32.msk $0xffff, v27  }
0x199: {  	[tilespmem:s2+$0xE510] =	vst.add.f32.msk $0xffff, v28  }
0x19a: {  	[tilespmem:s2+$0xE520] =	vst.add.f32.msk $0xffff, v29  }
0x19b: {  	[tilespmem:s2+$0xE530] =	vst.add.f32.msk $0xffff, v30  }
0x19c: {  	[tilespmem:s2+$0xE540] =	vst.add.f32.msk $0xffff, v31  }
0x19d: {  	[tilespmem:s2+$0xE550] =	vst.add.f32.msk $0xffff, v32  }
0x19e: {  	[tilespmem:s2+$0xE560] =	vst.add.f32.msk $0xffff, v33  }
0x19f: {  	[tilespmem:s2+$0xE570] =	vst.add.f32.msk $0xffff, v34  }
0x1a0: {  	[tilespmem:s2+$0xE900] =	vst.add.f32.msk $0xffff, v35  }
0x1a1: {  	[tilespmem:s2+$0xE910] =	vst.add.f32.msk $0xffff, v36  }
0x1a2: {  	[tilespmem:s2+$0xE920] =	vst.add.f32.msk $0xffff, v37  }
0x1a3: {  	[tilespmem:s2+$0xE930] =	vst.add.f32.msk $0xffff, v38  }
0x1a4: {  	[tilespmem:s2+$0xE940] =	vst.add.f32.msk $0xffff, v39  }
0x1a5: {  	[tilespmem:s2+$0xE950] =	vst.add.f32.msk $0xffff, v40  }
0x1a6: {  	[tilespmem:s2+$0xE960] =	vst.add.f32.msk $0xffff, v41  }
0x1a7: {  	[tilespmem:s2+$0xE970] =	vst.add.f32.msk $0xffff, v42  }
0x1a8: {  	[tilespmem:s2+$0xED00] =	vst.add.f32.msk $0xffff, v43  }
0x1a9: {  	[tilespmem:s2+$0xED10] =	vst.add.f32.msk $0xffff, v44  }
0x1aa: {  	[tilespmem:s2+$0xED20] =	vst.add.f32.msk $0xffff, v45  }
0x1ab: {  	[tilespmem:s2+$0xED30] =	vst.add.f32.msk $0xffff, v46  }
0x1ac: {  	s21 =	smul.u32 $0xF000, s30;
	[tilespmem:s2+$0xED40] =	vst.add.f32.msk $0xffff, v47  }
0x1ad: {  	[tilespmem:s2+$0xED50] =	vst.add.f32.msk $0xffff, v48  }
0x1ae: {  	s12 =	simm.s32 $0x5;
	s3 =	sshrl.u32 s21, $0x3;
	[tilespmem:s2+$0xED60] =	vst.add.f32.msk $0xffff, v49  }
0x1af: {  	s5 =	simm.s32 $0x0;
	s31 =	sadd.s32 s8, s3;
	s3 =	smul.u32 $0x6000, s12;
	[tilespmem:s2+$0xD940] =	vst.add.f32.msk $0xffff, v3  }
0x1b0: {  	[hbm4b:s31+s5] =	stream.linear.scatter [tilespmem:s16], [sflag:$0x4], $0x7800, $0x38;
	[tilespmem:$0x1C900] =	vst v63  }
0x1b1: {  	_ =	swait.ge [sflag:s26], $0x6000  }
0x1b2: {  	s3 =	sshra.s32 s3, $0x2;
	s2 =	sand.u32 $0x380, s5;
	[sflag:s26] =	ssyncset.done $0x0  }
0x1b3: {  	s3 =	sor.u32 s2, s3;
	[sflag:s26] =	ssyncadd.s32 $0xFFFFA000  }
0x1b4: {  	s14 =	simm.s32 $0x0;
	v3 =	vld [tilespmem:s3+$0x0]  }
0x1b5: {  	s5 =	smul.u32 $0x6000, s14;
	_ =	sdelay $0x1  }
0x1b6: {  	s5 =	sshra.s32 s5, $0x2  }
0x1b7: {  	s2 =	sor.u32 s2, s5  }
0x1b8: {  	[tilespmem:s2+$0x15100] =	vst.add.f32.msk $0xffff, v3  }
0x1b9: {  	v3 =	vld [tilespmem:s3+$0x10];
	_ =	sdelay $0x2  }
0x1ba: {  	s5 =	sadd.s32 $0x15100, s2  }
0x1bb: {  	s15 =	sor.u32 $0x10, s5  }
0x1bc: {  	[tilespmem:s15+$0x0] =	vst.add.f32.msk $0xffff, v3  }
0x1bd: {  	v3 =	vld [tilespmem:s3+$0x20];
	_ =	sdelay $0x3  }
0x1be: {  	s17 =	sor.u32 $0x20, s5  }
0x1bf: {  	[tilespmem:s17+$0x0] =	vst.add.f32.msk $0xffff, v3  }
0x1c0: {  	v3 =	vld [tilespmem:s3+$0x30];
	_ =	sdelay $0x3  }
0x1c1: {  	s18 =	sor.u32 $0x30, s5  }
0x1c2: {  	[tilespmem:s18+$0x0] =	vst.add.f32.msk $0xffff, v3  }
0x1c3: {  	v3 =	vld [tilespmem:s3+$0x40];
	_ =	sdelay $0x3  }
0x1c4: {  	s19 =	sor.u32 $0x40, s5  }
0x1c5: {  	[tilespmem:s19+$0x0] =	vst.add.f32.msk $0xffff, v3  }
0x1c6: {  	v3 =	vld [tilespmem:s3+$0x50];
	_ =	sdelay $0x3  }
0x1c7: {  	s20 =	sor.u32 $0x50, s5  }
0x1c8: {  	[tilespmem:s20+$0x0] =	vst.add.f32.msk $0xffff, v3  }
0x1c9: {  	v3 =	vld [tilespmem:s3+$0x60];
	_ =	sdelay $0x3  }
0x1ca: {  	s21 =	sor.u32 $0x60, s5  }
0x1cb: {  	[tilespmem:s21+$0x0] =	vst.add.f32.msk $0xffff, v3  }
0x1cc: {  	v3 =	vld [tilespmem:s3+$0x70];
	_ =	sdelay $0x3  }
0x1cd: {  	s14 =	sor.u32 $0x70, s5  }
0x1ce: {  	[tilespmem:s14+$0x0] =	vst.add.f32.msk $0xffff, v3  }
0x1cf: {  	v3 =	vld [tilespmem:s3+$0x400];
	_ =	sdelay $0x4  }
0x1d0: {  	[tilespmem:s5+$0x400] =	vst.add.f32.msk $0xffff, v3  }
0x1d1: {  	v3 =	vld [tilespmem:s3+$0x410];
	_ =	sdelay $0x4  }
0x1d2: {  	[tilespmem:s5+$0x410] =	vst.add.f32.msk $0xffff, v3  }
0x1d3: {  	v3 =	vld [tilespmem:s3+$0x420];
	_ =	sdelay $0x4  }
0x1d4: {  	[tilespmem:s5+$0x420] =	vst.add.f32.msk $0xffff, v3  }
0x1d5: {  	v3 =	vld [tilespmem:s3+$0x430];
	_ =	sdelay $0x4  }
0x1d6: {  	[tilespmem:s5+$0x430] =	vst.add.f32.msk $0xffff, v3  }
0x1d7: {  	v3 =	vld [tilespmem:s3+$0x440];
	_ =	sdelay $0x4  }
0x1d8: {  	[tilespmem:s5+$0x440] =	vst.add.f32.msk $0xffff, v3  }
0x1d9: {  	v3 =	vld [tilespmem:s3+$0x450];
	_ =	sdelay $0x4  }
0x1da: {  	[tilespmem:s5+$0x450] =	vst.add.f32.msk $0xffff, v3  }
0x1db: {  	v3 =	vld [tilespmem:s3+$0x460];
	_ =	sdelay $0x4  }
0x1dc: {  	[tilespmem:s5+$0x460] =	vst.add.f32.msk $0xffff, v3  }
0x1dd: {  	v3 =	vld [tilespmem:s3+$0x470];
	_ =	sdelay $0x4  }
0x1de: {  	[tilespmem:s5+$0x470] =	vst.add.f32.msk $0xffff, v3  }
0x1df: {  	v3 =	vld [tilespmem:s3+$0x800];
	_ =	sdelay $0x4  }
0x1e0: {  	[tilespmem:s2+$0x15900] =	vst.add.f32.msk $0xffff, v3  }
0x1e1: {  	v3 =	vld [tilespmem:s3+$0x810];
	_ =	sdelay $0x2  }
0x1e2: {  	s15 =	sadd.s32 $0x15900, s2  }
0x1e3: {  	s17 =	sor.u32 $0x10, s15  }
0x1e4: {  	[tilespmem:s17+$0x0] =	vst.add.f32.msk $0xffff, v3  }
0x1e5: {  	v3 =	vld [tilespmem:s3+$0x820];
	_ =	sdelay $0x3  }
0x1e6: {  	s18 =	sor.u32 $0x20, s15  }
0x1e7: {  	[tilespmem:s18+$0x0] =	vst.add.f32.msk $0xffff, v3  }
0x1e8: {  	v3 =	vld [tilespmem:s3+$0x830];
	_ =	sdelay $0x3  }
0x1e9: {  	s19 =	sor.u32 $0x30, s15  }
0x1ea: {  	[tilespmem:s19+$0x0] =	vst.add.f32.msk $0xffff, v3  }
0x1eb: {  	v3 =	vld [tilespmem:s3+$0x840];
	_ =	sdelay $0x3  }
0x1ec: {  	s20 =	sor.u32 $0x40, s15  }
0x1ed: {  	[tilespmem:s20+$0x0] =	vst.add.f32.msk $0xffff, v3  }
0x1ee: {  	v3 =	vld [tilespmem:s3+$0x850];
	_ =	sdelay $0x3  }
0x1ef: {  	s21 =	sor.u32 $0x50, s15  }
0x1f0: {  	[tilespmem:s21+$0x0] =	vst.add.f32.msk $0xffff, v3  }
0x1f1: {  	v3 =	vld [tilespmem:s3+$0x860];
	_ =	sdelay $0x3  }
0x1f2: {  	s14 =	sor.u32 $0x60, s15  }
0x1f3: {  	[tilespmem:s14+$0x0] =	vst.add.f32.msk $0xffff, v3  }
0x1f4: {  	v3 =	vld [tilespmem:s3+$0x870];
	_ =	sdelay $0x3  }
0x1f5: {  	s5 =	sor.u32 $0x70, s15  }
0x1f6: {  	[tilespmem:s5+$0x0] =	vst.add.f32.msk $0xffff, v3  }
0x1f7: {  	v3 =	vld [tilespmem:s3+$0xC00];
	_ =	sdelay $0x4  }
0x1f8: {  	[tilespmem:s2+$0x15D00] =	vst.add.f32.msk $0xffff, v3  }
0x1f9: {  	v3 =	vld [tilespmem:s3+$0xC10];
	_ =	sdelay $0x2  }
0x1fa: {  	s15 =	sadd.s32 $0x15D00, s2  }
0x1fb: {  	s17 =	sor.u32 $0x10, s15  }
0x1fc: {  	[tilespmem:s17+$0x0] =	vst.add.f32.msk $0xffff, v3  }
0x1fd: {  	v3 =	vld [tilespmem:s3+$0xC20];
	_ =	sdelay $0x3  }
0x1fe: {  	s18 =	sor.u32 $0x20, s15  }
0x1ff: {  	[tilespmem:s18+$0x0] =	vst.add.f32.msk $0xffff, v3  }
0x200: {  	v3 =	vld [tilespmem:s3+$0xC30];
	_ =	sdelay $0x3  }
0x201: {  	s19 =	sor.u32 $0x30, s15  }
0x202: {  	[tilespmem:s19+$0x0] =	vst.add.f32.msk $0xffff, v3  }
0x203: {  	v3 =	vld [tilespmem:s3+$0xC40];
	_ =	sdelay $0x3  }
0x204: {  	s20 =	sor.u32 $0x40, s15  }
0x205: {  	[tilespmem:s20+$0x0] =	vst.add.f32.msk $0xffff, v3  }
0x206: {  	v3 =	vld [tilespmem:s3+$0xC50];
	_ =	sdelay $0x3  }
0x207: {  	s21 =	sor.u32 $0x50, s15  }
0x208: {  	[tilespmem:s21+$0x0] =	vst.add.f32.msk $0xffff, v3  }
0x209: {  	v3 =	vld [tilespmem:s3+$0xC60];
	_ =	sdelay $0x3  }
0x20a: {  	s14 =	sor.u32 $0x60, s15  }
0x20b: {  	[tilespmem:s14+$0x0] =	vst.add.f32.msk $0xffff, v3  }
0x20c: {  	v3 =	vld [tilespmem:s3+$0xC70];
	_ =	sdelay $0x3  }
0x20d: {  	s5 =	sor.u32 $0x70, s15  }
0x20e: {  	[tilespmem:s5+$0x0] =	vst.add.f32.msk $0xffff, v3  }
0x20f: {  	v3 =	vld [tilespmem:s3+$0x1000];
	_ =	sdelay $0x4  }
0x210: {  	[tilespmem:s2+$0x16100] =	vst.add.f32.msk $0xffff, v3  }
0x211: {  	v3 =	vld [tilespmem:s3+$0x1010];
	_ =	sdelay $0x2  }
0x212: {  	s15 =	sadd.s32 $0x16100, s2  }
0x213: {  	s17 =	sor.u32 $0x10, s15  }
0x214: {  	[tilespmem:s17+$0x0] =	vst.add.f32.msk $0xffff, v3  }
0x215: {  	v3 =	vld [tilespmem:s3+$0x1020];
	_ =	sdelay $0x3  }
0x216: {  	s18 =	sor.u32 $0x20, s15  }
0x217: {  	[tilespmem:s18+$0x0] =	vst.add.f32.msk $0xffff, v3  }
0x218: {  	v3 =	vld [tilespmem:s3+$0x1030];
	_ =	sdelay $0x3  }
0x219: {  	s19 =	sor.u32 $0x30, s15  }
0x21a: {  	[tilespmem:s19+$0x0] =	vst.add.f32.msk $0xffff, v3  }
0x21b: {  	v3 =	vld [tilespmem:s3+$0x1040];
	_ =	sdelay $0x3  }
0x21c: {  	s20 =	sor.u32 $0x40, s15  }
0x21d: {  	[tilespmem:s20+$0x0] =	vst.add.f32.msk $0xffff, v3  }
0x21e: {  	v3 =	vld [tilespmem:s3+$0x1050];
	_ =	sdelay $0x3  }
0x21f: {  	s21 =	sor.u32 $0x50, s15  }
0x220: {  	[tilespmem:s21+$0x0] =	vst.add.f32.msk $0xffff, v3  }
0x221: {  	v3 =	vld [tilespmem:s3+$0x1060];
	_ =	sdelay $0x3  }
0x222: {  	s14 =	sor.u32 $0x60, s15  }
0x223: {  	[tilespmem:s14+$0x0] =	vst.add.f32.msk $0xffff, v3  }
0x224: {  	v3 =	vld [tilespmem:s3+$0x1070];
	_ =	sdelay $0x3  }
0x225: {  	s5 =	sor.u32 $0x70, s15  }
0x226: {  	[tilespmem:s5+$0x0] =	vst.add.f32.msk $0xffff, v3  }
0x227: {  	v3 =	vld [tilespmem:s3+$0x1400];
	_ =	sdelay $0x4  }
0x228: {  	[tilespmem:s2+$0x16500] =	vst.add.f32.msk $0xffff, v3  }
0x229: {  	v3 =	vld [tilespmem:s3+$0x1410];
	_ =	sdelay $0x2  }
0x22a: {  	s14 =	sadd.s32 $0x16500, s2  }
0x22b: {  	s2 =	sor.u32 $0x10, s14  }
0x22c: {  	[tilespmem:s2+$0x0] =	vst.add.f32.msk $0xffff, v3  }
0x22d: {  	v3 =	vld [tilespmem:s3+$0x1420];
	_ =	sdelay $0x3  }
0x22e: {  	s15 =	sor.u32 $0x20, s14  }
0x22f: {  	[tilespmem:s15+$0x0] =	vst.add.f32.msk $0xffff, v3  }
0x230: {  	v3 =	vld [tilespmem:s3+$0x1430];
	_ =	sdelay $0x3  }
0x231: {  	s17 =	sor.u32 $0x30, s14  }
0x232: {  	[tilespmem:s17+$0x0] =	vst.add.f32.msk $0xffff, v3  }
0x233: {  	v3 =	vld [tilespmem:s3+$0x1440];
	_ =	sdelay $0x3  }
0x234: {  	s18 =	sor.u32 $0x40, s14  }
0x235: {  	[tilespmem:s18+$0x0] =	vst.add.f32.msk $0xffff, v3  }
0x236: {  	v3 =	vld [tilespmem:s3+$0x1450];
	_ =	sdelay $0x3  }
0x237: {  	s19 =	sor.u32 $0x50, s14  }
0x238: {  	[tilespmem:s19+$0x0] =	vst.add.f32.msk $0xffff, v3  }
0x239: {  	v3 =	vld [tilespmem:s3+$0x1460];
	_ =	sdelay $0x3  }
0x23a: {  	s21 =	sor.u32 $0x60, s14  }
0x23b: {  	[tilespmem:s21+$0x0] =	vst.add.f32.msk $0xffff, v3  }
0x23c: {  	s20 =	simm.s32 $0x5;
	v3 =	vld [tilespmem:s3+$0x1470]  }
0x23d: {  	s17 =	smul.u32 $0x6000, s20  }
0x23e: {  	s12 =	simm.s32 $0x80;
	s5 =	simm.s32 $0x1;
	s14 =	sor.u32 $0x70, s14  }
0x23f: {  	s2 =	simm.s32 $0x2;
	s15 =	sand.u32 $0x380, s12;
	s3 =	sshra.s32 s17, $0x2  }
.LBB2_5:
0x240: {  	p0 =	sne.s32 s2, $0x1F  }
0x241: {  	s3 =	sor.u32 s15, s3;
	[tilespmem:s14+$0x0] =	vst.add.f32.msk $0xffff, v3;
	s14 =	smov.u32 s2;
	s2 =	sadd.s32 $0x1, s2  }
0x242: {  	s17 =	sshrl.u32 s5, $0x3;
	v3 =	vld [tilespmem:s3+$0x0];
	s5 =	smov.u32 s14  }
0x243: {  	s14 =	smul.u32 $0x6000, s17;
	_ =	sdelay $0x1  }
0x244: {  	s14 =	sshra.s32 s14, $0x2  }
0x245: {  	s15 =	sor.u32 s15, s14  }
0x246: {  	s19 =	sadd.s32 $0x15900, s15;
	s18 =	sadd.s32 $0x15D00, s15;
	s17 =	sadd.s32 $0x16100, s15;
	[tilespmem:s15+$0x15100] =	vst.add.f32.msk $0xffff, v3  }
0x247: {  	s14 =	sadd.s32 $0x16500, s15;
	v3 =	vld [tilespmem:s3+$0x10];
	_ =	sdelay $0x2  }
0x248: {  	s20 =	sadd.s32 $0x15100, s15  }
0x249: {  	s21 =	sor.u32 $0x10, s20  }
0x24a: {  	[tilespmem:s21+$0x0] =	vst.add.f32.msk $0xffff, v3  }
0x24b: {  	v3 =	vld [tilespmem:s3+$0x20];
	_ =	sdelay $0x3  }
0x24c: {  	s21 =	sor.u32 $0x20, s20  }
0x24d: {  	[tilespmem:s21+$0x0] =	vst.add.f32.msk $0xffff, v3  }
0x24e: {  	v3 =	vld [tilespmem:s3+$0x30];
	_ =	sdelay $0x3  }
0x24f: {  	s21 =	sor.u32 $0x30, s20  }
0x250: {  	[tilespmem:s21+$0x0] =	vst.add.f32.msk $0xffff, v3  }
0x251: {  	v3 =	vld [tilespmem:s3+$0x40];
	_ =	sdelay $0x3  }
0x252: {  	s21 =	sor.u32 $0x40, s20  }
0x253: {  	[tilespmem:s21+$0x0] =	vst.add.f32.msk $0xffff, v3  }
0x254: {  	v3 =	vld [tilespmem:s3+$0x50];
	_ =	sdelay $0x3  }
0x255: {  	s21 =	sor.u32 $0x50, s20  }
0x256: {  	[tilespmem:s21+$0x0] =	vst.add.f32.msk $0xffff, v3  }
0x257: {  	v3 =	vld [tilespmem:s3+$0x60];
	_ =	sdelay $0x3  }
0x258: {  	s21 =	sor.u32 $0x60, s20  }
0x259: {  	[tilespmem:s21+$0x0] =	vst.add.f32.msk $0xffff, v3  }
0x25a: {  	v3 =	vld [tilespmem:s3+$0x70];
	_ =	sdelay $0x3  }
0x25b: {  	s21 =	sor.u32 $0x70, s20  }
0x25c: {  	[tilespmem:s21+$0x0] =	vst.add.f32.msk $0xffff, v3  }
0x25d: {  	v3 =	vld [tilespmem:s3+$0x400];
	_ =	sdelay $0x4  }
0x25e: {  	[tilespmem:s20+$0x400] =	vst.add.f32.msk $0xffff, v3  }
0x25f: {  	v3 =	vld [tilespmem:s3+$0x410];
	_ =	sdelay $0x4  }
0x260: {  	[tilespmem:s20+$0x410] =	vst.add.f32.msk $0xffff, v3  }
0x261: {  	v3 =	vld [tilespmem:s3+$0x420];
	_ =	sdelay $0x4  }
0x262: {  	[tilespmem:s20+$0x420] =	vst.add.f32.msk $0xffff, v3  }
0x263: {  	v3 =	vld [tilespmem:s3+$0x430];
	_ =	sdelay $0x4  }
0x264: {  	[tilespmem:s20+$0x430] =	vst.add.f32.msk $0xffff, v3  }
0x265: {  	v3 =	vld [tilespmem:s3+$0x440];
	_ =	sdelay $0x4  }
0x266: {  	[tilespmem:s20+$0x440] =	vst.add.f32.msk $0xffff, v3  }
0x267: {  	v3 =	vld [tilespmem:s3+$0x450];
	_ =	sdelay $0x4  }
0x268: {  	[tilespmem:s20+$0x450] =	vst.add.f32.msk $0xffff, v3  }
0x269: {  	v3 =	vld [tilespmem:s3+$0x460];
	_ =	sdelay $0x4  }
0x26a: {  	[tilespmem:s20+$0x460] =	vst.add.f32.msk $0xffff, v3  }
0x26b: {  	v3 =	vld [tilespmem:s3+$0x470];
	_ =	sdelay $0x4  }
0x26c: {  	[tilespmem:s20+$0x470] =	vst.add.f32.msk $0xffff, v3  }
0x26d: {  	v3 =	vld [tilespmem:s3+$0x800];
	_ =	sdelay $0x4  }
0x26e: {  	[tilespmem:s15+$0x15900] =	vst.add.f32.msk $0xffff, v3  }
0x26f: {  	v3 =	vld [tilespmem:s3+$0x810];
	_ =	sdelay $0x3  }
0x270: {  	s20 =	sor.u32 $0x10, s19  }
0x271: {  	[tilespmem:s20+$0x0] =	vst.add.f32.msk $0xffff, v3  }
0x272: {  	v3 =	vld [tilespmem:s3+$0x820];
	_ =	sdelay $0x3  }
0x273: {  	s20 =	sor.u32 $0x20, s19  }
0x274: {  	[tilespmem:s20+$0x0] =	vst.add.f32.msk $0xffff, v3  }
0x275: {  	v3 =	vld [tilespmem:s3+$0x830];
	_ =	sdelay $0x3  }
0x276: {  	s20 =	sor.u32 $0x30, s19  }
0x277: {  	[tilespmem:s20+$0x0] =	vst.add.f32.msk $0xffff, v3  }
0x278: {  	v3 =	vld [tilespmem:s3+$0x840];
	_ =	sdelay $0x3  }
0x279: {  	s20 =	sor.u32 $0x40, s19  }
0x27a: {  	[tilespmem:s20+$0x0] =	vst.add.f32.msk $0xffff, v3  }
0x27b: {  	v3 =	vld [tilespmem:s3+$0x850];
	_ =	sdelay $0x3  }
0x27c: {  	s20 =	sor.u32 $0x50, s19  }
0x27d: {  	[tilespmem:s20+$0x0] =	vst.add.f32.msk $0xffff, v3  }
0x27e: {  	v3 =	vld [tilespmem:s3+$0x860];
	_ =	sdelay $0x3  }
0x27f: {  	s20 =	sor.u32 $0x60, s19  }
0x280: {  	[tilespmem:s20+$0x0] =	vst.add.f32.msk $0xffff, v3  }
0x281: {  	v3 =	vld [tilespmem:s3+$0x870];
	_ =	sdelay $0x3  }
0x282: {  	s19 =	sor.u32 $0x70, s19  }
0x283: {  	[tilespmem:s19+$0x0] =	vst.add.f32.msk $0xffff, v3  }
0x284: {  	v3 =	vld [tilespmem:s3+$0xC00];
	_ =	sdelay $0x4  }
0x285: {  	[tilespmem:s15+$0x15D00] =	vst.add.f32.msk $0xffff, v3  }
0x286: {  	v3 =	vld [tilespmem:s3+$0xC10];
	_ =	sdelay $0x3  }
0x287: {  	s19 =	sor.u32 $0x10, s18  }
0x288: {  	[tilespmem:s19+$0x0] =	vst.add.f32.msk $0xffff, v3  }
0x289: {  	v3 =	vld [tilespmem:s3+$0xC20];
	_ =	sdelay $0x3  }
0x28a: {  	s19 =	sor.u32 $0x20, s18  }
0x28b: {  	[tilespmem:s19+$0x0] =	vst.add.f32.msk $0xffff, v3  }
0x28c: {  	v3 =	vld [tilespmem:s3+$0xC30];
	_ =	sdelay $0x3  }
0x28d: {  	s19 =	sor.u32 $0x30, s18  }
0x28e: {  	[tilespmem:s19+$0x0] =	vst.add.f32.msk $0xffff, v3  }
0x28f: {  	v3 =	vld [tilespmem:s3+$0xC40];
	_ =	sdelay $0x3  }
0x290: {  	s19 =	sor.u32 $0x40, s18  }
0x291: {  	[tilespmem:s19+$0x0] =	vst.add.f32.msk $0xffff, v3  }
0x292: {  	v3 =	vld [tilespmem:s3+$0xC50];
	_ =	sdelay $0x3  }
0x293: {  	s19 =	sor.u32 $0x50, s18  }
0x294: {  	[tilespmem:s19+$0x0] =	vst.add.f32.msk $0xffff, v3  }
0x295: {  	v3 =	vld [tilespmem:s3+$0xC60];
	_ =	sdelay $0x3  }
0x296: {  	s19 =	sor.u32 $0x60, s18  }
0x297: {  	[tilespmem:s19+$0x0] =	vst.add.f32.msk $0xffff, v3  }
0x298: {  	v3 =	vld [tilespmem:s3+$0xC70];
	_ =	sdelay $0x3  }
0x299: {  	s18 =	sor.u32 $0x70, s18  }
0x29a: {  	[tilespmem:s18+$0x0] =	vst.add.f32.msk $0xffff, v3  }
0x29b: {  	v3 =	vld [tilespmem:s3+$0x1000];
	_ =	sdelay $0x4  }
0x29c: {  	[tilespmem:s15+$0x16100] =	vst.add.f32.msk $0xffff, v3  }
0x29d: {  	v3 =	vld [tilespmem:s3+$0x1010];
	_ =	sdelay $0x3  }
0x29e: {  	s18 =	sor.u32 $0x10, s17  }
0x29f: {  	[tilespmem:s18+$0x0] =	vst.add.f32.msk $0xffff, v3  }
0x2a0: {  	v3 =	vld [tilespmem:s3+$0x1020];
	_ =	sdelay $0x3  }
0x2a1: {  	s18 =	sor.u32 $0x20, s17  }
0x2a2: {  	[tilespmem:s18+$0x0] =	vst.add.f32.msk $0xffff, v3  }
0x2a3: {  	v3 =	vld [tilespmem:s3+$0x1030];
	_ =	sdelay $0x3  }
0x2a4: {  	s18 =	sor.u32 $0x30, s17  }
0x2a5: {  	[tilespmem:s18+$0x0] =	vst.add.f32.msk $0xffff, v3  }
0x2a6: {  	v3 =	vld [tilespmem:s3+$0x1040];
	_ =	sdelay $0x3  }
0x2a7: {  	s18 =	sor.u32 $0x40, s17  }
0x2a8: {  	[tilespmem:s18+$0x0] =	vst.add.f32.msk $0xffff, v3  }
0x2a9: {  	v3 =	vld [tilespmem:s3+$0x1050];
	_ =	sdelay $0x3  }
0x2aa: {  	s18 =	sor.u32 $0x50, s17  }
0x2ab: {  	[tilespmem:s18+$0x0] =	vst.add.f32.msk $0xffff, v3  }
0x2ac: {  	v3 =	vld [tilespmem:s3+$0x1060];
	_ =	sdelay $0x3  }
0x2ad: {  	s18 =	sor.u32 $0x60, s17  }
0x2ae: {  	[tilespmem:s18+$0x0] =	vst.add.f32.msk $0xffff, v3  }
0x2af: {  	v3 =	vld [tilespmem:s3+$0x1070];
	_ =	sdelay $0x3  }
0x2b0: {  	s17 =	sor.u32 $0x70, s17  }
0x2b1: {  	[tilespmem:s17+$0x0] =	vst.add.f32.msk $0xffff, v3  }
0x2b2: {  	v3 =	vld [tilespmem:s3+$0x1400];
	_ =	sdelay $0x4  }
0x2b3: {  	[tilespmem:s15+$0x16500] =	vst.add.f32.msk $0xffff, v3  }
0x2b4: {  	v3 =	vld [tilespmem:s3+$0x1410];
	_ =	sdelay $0x3  }
0x2b5: {  	s15 =	sor.u32 $0x10, s14  }
0x2b6: {  	[tilespmem:s15+$0x0] =	vst.add.f32.msk $0xffff, v3  }
0x2b7: {  	v3 =	vld [tilespmem:s3+$0x1420];
	_ =	sdelay $0x3  }
0x2b8: {  	s15 =	sor.u32 $0x20, s14  }
0x2b9: {  	[tilespmem:s15+$0x0] =	vst.add.f32.msk $0xffff, v3  }
0x2ba: {  	v3 =	vld [tilespmem:s3+$0x1430];
	_ =	sdelay $0x3  }
0x2bb: {  	s15 =	sor.u32 $0x30, s14  }
0x2bc: {  	[tilespmem:s15+$0x0] =	vst.add.f32.msk $0xffff, v3  }
0x2bd: {  	v3 =	vld [tilespmem:s3+$0x1440];
	_ =	sdelay $0x3  }
0x2be: {  	s15 =	sor.u32 $0x40, s14  }
0x2bf: {  	[tilespmem:s15+$0x0] =	vst.add.f32.msk $0xffff, v3  }
0x2c0: {  	v3 =	vld [tilespmem:s3+$0x1450];
	_ =	sdelay $0x3  }
0x2c1: {  	s15 =	sor.u32 $0x50, s14  }
0x2c2: {  	[tilespmem:s15+$0x0] =	vst.add.f32.msk $0xffff, v3  }
0x2c3: {  	v3 =	vld [tilespmem:s3+$0x1460];
	_ =	sdelay $0x3  }
0x2c4: {  	s15 =	sor.u32 $0x60, s14  }
0x2c5: {  	[tilespmem:s15+$0x0] =	vst.add.f32.msk $0xffff, v3  }
.Ltmp1:
0x2c6: {  	s15 =	sadd.s32 $0x28, s5;
	v3 =	vld [tilespmem:s3+$0x1470];
	(pc) =	sbr.rel @p0 .LBB2_5-.Ltmp1, $4  }
0x2c7: {  	s3 =	sshrl.u32 s15, $0x3  }
0x2c8: {  	s3 =	smul.u32 $0x6000, s3  }
0x2c9: {  	s12 =	sadd.s32 $0x80, s12  }
0x2ca: {  	s14 =	sor.u32 $0x70, s14;
	s15 =	sand.u32 $0x380, s12;
	s3 =	sshra.s32 s3, $0x2  }
0x2cb: {  	s2 =	sor.u32 s15, s3;
	[tilespmem:s14+$0x0] =	vst.add.f32.msk $0xffff, v3  }
0x2cc: {  	s12 =	sshrl.u32 s5, $0x3;
	v3 =	vld [tilespmem:s2+$0x0]  }
0x2cd: {  	s3 =	smul.u32 $0x6000, s12;
	_ =	sdelay $0x1  }
0x2ce: {  	s3 =	sshra.s32 s3, $0x2  }
0x2cf: {  	s3 =	sor.u32 s15, s3  }
0x2d0: {  	[tilespmem:s3+$0x15100] =	vst.add.f32.msk $0xffff, v3  }
0x2d1: {  	v3 =	vld [tilespmem:s2+$0x10];
	_ =	sdelay $0x2  }
0x2d2: {  	s14 =	sadd.s32 $0x15100, s3  }
0x2d3: {  	s12 =	sor.u32 $0x10, s14  }
0x2d4: {  	[tilespmem:s12+$0x0] =	vst.add.f32.msk $0xffff, v3  }
0x2d5: {  	v3 =	vld [tilespmem:s2+$0x20];
	_ =	sdelay $0x3  }
0x2d6: {  	s15 =	sor.u32 $0x20, s14  }
0x2d7: {  	[tilespmem:s15+$0x0] =	vst.add.f32.msk $0xffff, v3  }
0x2d8: {  	v3 =	vld [tilespmem:s2+$0x30];
	_ =	sdelay $0x3  }
0x2d9: {  	s17 =	sor.u32 $0x30, s14  }
0x2da: {  	[tilespmem:s17+$0x0] =	vst.add.f32.msk $0xffff, v3  }
0x2db: {  	v3 =	vld [tilespmem:s2+$0x40];
	_ =	sdelay $0x3  }
0x2dc: {  	s18 =	sor.u32 $0x40, s14  }
0x2dd: {  	[tilespmem:s18+$0x0] =	vst.add.f32.msk $0xffff, v3  }
0x2de: {  	v3 =	vld [tilespmem:s2+$0x50];
	_ =	sdelay $0x3  }
0x2df: {  	s19 =	sor.u32 $0x50, s14  }
0x2e0: {  	[tilespmem:s19+$0x0] =	vst.add.f32.msk $0xffff, v3  }
0x2e1: {  	v3 =	vld [tilespmem:s2+$0x60];
	_ =	sdelay $0x3  }
0x2e2: {  	s20 =	sor.u32 $0x60, s14  }
0x2e3: {  	[tilespmem:s20+$0x0] =	vst.add.f32.msk $0xffff, v3  }
0x2e4: {  	v3 =	vld [tilespmem:s2+$0x70];
	_ =	sdelay $0x3  }
0x2e5: {  	s21 =	sor.u32 $0x70, s14  }
0x2e6: {  	[tilespmem:s21+$0x0] =	vst.add.f32.msk $0xffff, v3  }
0x2e7: {  	v3 =	vld [tilespmem:s2+$0x400];
	_ =	sdelay $0x4  }
0x2e8: {  	[tilespmem:s14+$0x400] =	vst.add.f32.msk $0xffff, v3  }
0x2e9: {  	v3 =	vld [tilespmem:s2+$0x410];
	_ =	sdelay $0x4  }
0x2ea: {  	[tilespmem:s14+$0x410] =	vst.add.f32.msk $0xffff, v3  }
0x2eb: {  	v3 =	vld [tilespmem:s2+$0x420];
	_ =	sdelay $0x4  }
0x2ec: {  	[tilespmem:s14+$0x420] =	vst.add.f32.msk $0xffff, v3  }
0x2ed: {  	v3 =	vld [tilespmem:s2+$0x430];
	_ =	sdelay $0x4  }
0x2ee: {  	[tilespmem:s14+$0x430] =	vst.add.f32.msk $0xffff, v3  }
0x2ef: {  	v3 =	vld [tilespmem:s2+$0x440];
	_ =	sdelay $0x4  }
0x2f0: {  	[tilespmem:s14+$0x440] =	vst.add.f32.msk $0xffff, v3  }
0x2f1: {  	v3 =	vld [tilespmem:s2+$0x450];
	_ =	sdelay $0x4  }
0x2f2: {  	[tilespmem:s14+$0x450] =	vst.add.f32.msk $0xffff, v3  }
0x2f3: {  	v3 =	vld [tilespmem:s2+$0x460];
	_ =	sdelay $0x4  }
0x2f4: {  	[tilespmem:s14+$0x460] =	vst.add.f32.msk $0xffff, v3  }
0x2f5: {  	v3 =	vld [tilespmem:s2+$0x470];
	_ =	sdelay $0x4  }
0x2f6: {  	[tilespmem:s14+$0x470] =	vst.add.f32.msk $0xffff, v3  }
0x2f7: {  	v3 =	vld [tilespmem:s2+$0x800];
	_ =	sdelay $0x4  }
0x2f8: {  	[tilespmem:s3+$0x15900] =	vst.add.f32.msk $0xffff, v3  }
0x2f9: {  	v3 =	vld [tilespmem:s2+$0x810];
	_ =	sdelay $0x2  }
0x2fa: {  	s14 =	sadd.s32 $0x15900, s3  }
0x2fb: {  	s15 =	sor.u32 $0x10, s14  }
0x2fc: {  	[tilespmem:s15+$0x0] =	vst.add.f32.msk $0xffff, v3  }
0x2fd: {  	v3 =	vld [tilespmem:s2+$0x820];
	_ =	sdelay $0x3  }
0x2fe: {  	s17 =	sor.u32 $0x20, s14  }
0x2ff: {  	[tilespmem:s17+$0x0] =	vst.add.f32.msk $0xffff, v3  }
0x300: {  	v3 =	vld [tilespmem:s2+$0x830];
	_ =	sdelay $0x3  }
0x301: {  	s18 =	sor.u32 $0x30, s14  }
0x302: {  	[tilespmem:s18+$0x0] =	vst.add.f32.msk $0xffff, v3  }
0x303: {  	v3 =	vld [tilespmem:s2+$0x840];
	_ =	sdelay $0x3  }
0x304: {  	s19 =	sor.u32 $0x40, s14  }
0x305: {  	[tilespmem:s19+$0x0] =	vst.add.f32.msk $0xffff, v3  }
0x306: {  	v3 =	vld [tilespmem:s2+$0x850];
	_ =	sdelay $0x3  }
0x307: {  	s20 =	sor.u32 $0x50, s14  }
0x308: {  	[tilespmem:s20+$0x0] =	vst.add.f32.msk $0xffff, v3  }
0x309: {  	v3 =	vld [tilespmem:s2+$0x860];
	_ =	sdelay $0x3  }
0x30a: {  	s21 =	sor.u32 $0x60, s14  }
0x30b: {  	[tilespmem:s21+$0x0] =	vst.add.f32.msk $0xffff, v3  }
0x30c: {  	v3 =	vld [tilespmem:s2+$0x870];
	_ =	sdelay $0x3  }
0x30d: {  	s5 =	sor.u32 $0x70, s14  }
0x30e: {  	[tilespmem:s5+$0x0] =	vst.add.f32.msk $0xffff, v3  }
0x30f: {  	v3 =	vld [tilespmem:s2+$0xC00];
	_ =	sdelay $0x4  }
0x310: {  	[tilespmem:s3+$0x15D00] =	vst.add.f32.msk $0xffff, v3  }
0x311: {  	v3 =	vld [tilespmem:s2+$0xC10];
	_ =	sdelay $0x2  }
0x312: {  	s14 =	sadd.s32 $0x15D00, s3  }
0x313: {  	s15 =	sor.u32 $0x10, s14  }
0x314: {  	[tilespmem:s15+$0x0] =	vst.add.f32.msk $0xffff, v3  }
0x315: {  	v3 =	vld [tilespmem:s2+$0xC20];
	_ =	sdelay $0x3  }
0x316: {  	s17 =	sor.u32 $0x20, s14  }
0x317: {  	[tilespmem:s17+$0x0] =	vst.add.f32.msk $0xffff, v3  }
0x318: {  	v3 =	vld [tilespmem:s2+$0xC30];
	_ =	sdelay $0x3  }
0x319: {  	s18 =	sor.u32 $0x30, s14  }
0x31a: {  	[tilespmem:s18+$0x0] =	vst.add.f32.msk $0xffff, v3  }
0x31b: {  	v3 =	vld [tilespmem:s2+$0xC40];
	_ =	sdelay $0x3  }
0x31c: {  	s19 =	sor.u32 $0x40, s14  }
0x31d: {  	[tilespmem:s19+$0x0] =	vst.add.f32.msk $0xffff, v3  }
0x31e: {  	v3 =	vld [tilespmem:s2+$0xC50];
	_ =	sdelay $0x3  }
0x31f: {  	s20 =	sor.u32 $0x50, s14  }
0x320: {  	[tilespmem:s20+$0x0] =	vst.add.f32.msk $0xffff, v3  }
0x321: {  	v3 =	vld [tilespmem:s2+$0xC60];
	_ =	sdelay $0x3  }
0x322: {  	s21 =	sor.u32 $0x60, s14  }
0x323: {  	[tilespmem:s21+$0x0] =	vst.add.f32.msk $0xffff, v3  }
0x324: {  	v3 =	vld [tilespmem:s2+$0xC70];
	_ =	sdelay $0x3  }
0x325: {  	s5 =	sor.u32 $0x70, s14  }
0x326: {  	[tilespmem:s5+$0x0] =	vst.add.f32.msk $0xffff, v3  }
0x327: {  	v3 =	vld [tilespmem:s2+$0x1000];
	_ =	sdelay $0x4  }
0x328: {  	[tilespmem:s3+$0x16100] =	vst.add.f32.msk $0xffff, v3  }
0x329: {  	v3 =	vld [tilespmem:s2+$0x1010];
	_ =	sdelay $0x2  }
0x32a: {  	s14 =	sadd.s32 $0x16100, s3  }
0x32b: {  	s15 =	sor.u32 $0x10, s14  }
0x32c: {  	[tilespmem:s15+$0x0] =	vst.add.f32.msk $0xffff, v3  }
0x32d: {  	v3 =	vld [tilespmem:s2+$0x1020];
	_ =	sdelay $0x3  }
0x32e: {  	s17 =	sor.u32 $0x20, s14  }
0x32f: {  	[tilespmem:s17+$0x0] =	vst.add.f32.msk $0xffff, v3  }
0x330: {  	v3 =	vld [tilespmem:s2+$0x1030];
	_ =	sdelay $0x3  }
0x331: {  	s18 =	sor.u32 $0x30, s14  }
0x332: {  	[tilespmem:s18+$0x0] =	vst.add.f32.msk $0xffff, v3  }
0x333: {  	v3 =	vld [tilespmem:s2+$0x1040];
	_ =	sdelay $0x3  }
0x334: {  	s19 =	sor.u32 $0x40, s14  }
0x335: {  	[tilespmem:s19+$0x0] =	vst.add.f32.msk $0xffff, v3  }
0x336: {  	v3 =	vld [tilespmem:s2+$0x1050];
	_ =	sdelay $0x3  }
0x337: {  	s20 =	sor.u32 $0x50, s14  }
0x338: {  	[tilespmem:s20+$0x0] =	vst.add.f32.msk $0xffff, v3  }
0x339: {  	v3 =	vld [tilespmem:s2+$0x1060];
	_ =	sdelay $0x3  }
0x33a: {  	s21 =	sor.u32 $0x60, s14  }
0x33b: {  	[tilespmem:s21+$0x0] =	vst.add.f32.msk $0xffff, v3  }
0x33c: {  	v3 =	vld [tilespmem:s2+$0x1070];
	_ =	sdelay $0x3  }
0x33d: {  	s5 =	sor.u32 $0x70, s14  }
0x33e: {  	[tilespmem:s5+$0x0] =	vst.add.f32.msk $0xffff, v3  }
0x33f: {  	v3 =	vld [tilespmem:s2+$0x1400];
	_ =	sdelay $0x4  }
0x340: {  	[tilespmem:s3+$0x16500] =	vst.add.f32.msk $0xffff, v3  }
0x341: {  	v3 =	vld [tilespmem:s2+$0x1410];
	_ =	sdelay $0x2  }
0x342: {  	s3 =	sadd.s32 $0x16500, s3  }
0x343: {  	s12 =	sor.u32 $0x10, s3  }
0x344: {  	[tilespmem:s12+$0x0] =	vst.add.f32.msk $0xffff, v3  }
0x345: {  	v3 =	vld [tilespmem:s2+$0x1420];
	_ =	sdelay $0x3  }
0x346: {  	s14 =	sor.u32 $0x20, s3  }
0x347: {  	[tilespmem:s14+$0x0] =	vst.add.f32.msk $0xffff, v3  }
0x348: {  	v3 =	vld [tilespmem:s2+$0x1430];
	_ =	sdelay $0x3  }
0x349: {  	s15 =	sor.u32 $0x30, s3  }
0x34a: {  	[tilespmem:s15+$0x0] =	vst.add.f32.msk $0xffff, v3  }
0x34b: {  	v3 =	vld [tilespmem:s2+$0x1440];
	_ =	sdelay $0x3  }
0x34c: {  	s17 =	sor.u32 $0x40, s3  }
0x34d: {  	[tilespmem:s17+$0x0] =	vst.add.f32.msk $0xffff, v3  }
0x34e: {  	v3 =	vld [tilespmem:s2+$0x1450];
	_ =	sdelay $0x3  }
0x34f: {  	s18 =	sor.u32 $0x50, s3  }
0x350: {  	[tilespmem:s18+$0x0] =	vst.add.f32.msk $0xffff, v3  }
0x351: {  	v3 =	vld [tilespmem:s2+$0x1460];
	_ =	sdelay $0x3  }
0x352: {  	s19 =	sor.u32 $0x60, s3  }
0x353: {  	[tilespmem:s19+$0x0] =	vst.add.f32.msk $0xffff, v3  }
0x354: {  	v3 =	vld [tilespmem:s2+$0x1470];
	_ =	sdelay $0x3  }
0x355: {  	s20 =	sor.u32 $0x70, s3  }
0x356: {  	s29 =	sadd.s32 $0x1, s29;
	s21 =	sadd.s32 $0xF00, s31;
	[tilespmem:s20+$0x0] =	vst.add.f32.msk $0xffff, v3  }
0x357: {  	[hbm4b:s21+s4] =	stream.linear.scatter [tilespmem:s0], [sflag:$0x5], $0x6000, $0x38;
	[tilespmem:$0x1C900] =	vst v63  }
0x358: {  	p0 =	sne.s32 s29, $0x20;
	_ =	swait.ge [sflag:s28], $0x1800  }
.Ltmp2:
0x359: {  	[sflag:s28] =	ssyncset.done $0x0;
	(pc) =	sbr.rel @p0 .LBB2_2-.Ltmp2, $4  }
0x35a: {  	s30 =	smul.u32 $0x300, s30;
	[sflag:s28] =	ssyncadd.s32 $0xFFFFE800  }
0x35b: {  	s31 =	rddreg [dreg:$0x3]  }
0x35c: {  	s2 =	sadd.s32 s31, s30  }
0x35d: {  	[hbm4b:s2+s4] =	stream.linear.scatter [tilespmem:s22], [sflag:$0x6], $0x1800, $0x38;
	[tilespmem:$0x1C900] =	vst v63  }
0x35e: {  	s2 =	simm.s32 $0x4  }
0x35f: {  	_ =	swait.ge [sflag:s2], $0x7800  }
0x360: {  	[sflag:s2] =	ssyncset.done $0x0  }
0x361: {  	s30 =	simm.s32 $0x5;
	[sflag:s2] =	ssyncadd.s32 $0xFFFF8800  }
0x362: {  	_ =	swait.ge [sflag:s30], $0x6000  }
0x363: {  	[sflag:s30] =	ssyncset.done $0x0  }
0x364: {  	s3 =	simm.s32 $0x6;
	[sflag:s30] =	ssyncadd.s32 $0xFFFFA000  }
0x365: {  	_ =	swait.ge [sflag:s3], $0x1800  }
0x366: {  	s5 =	rddreg [dreg:$0x6]  }
0x367: {  	s31 =	rddreg [dreg:$0x5];
	s5 =	sadd.s32 $0x1, s5  }
0x368: {  	p0 =	sne.s32 s5, s31  }
.Ltmp3:
0x369: {  	_ = 	snop;
	(pc) =	sbr.rel @p0 .LBB2_1-.Ltmp3, $3  }
0x36a: {  	_ =	sdelay $0x1  }
0x36b: {  	[sflag:s3] =	ssyncset.done $0x0  }
0x36c: {  	[sflag:s3] =	ssyncadd.s32 $0xFFFFE800  }
0x36d: {  	_ =	sfence.sel $0x180000  }
0x36e: {  	[bflag:$0x0] =	sbarrier.arrive $0xFFFF  }
0x36f: {  	_ =	strace $0x90000047  }
0x370: {  	s0 =	stileid.u32;
	[bflag:$0x2] =	sbarrier.arrive $0xFFFF  }
0x371: {  	p0 =	sne.s32 s0, $0x0;
	s0 =	rddreg [dreg:$0x4]  }
0x372: {  	s0 =	sadd.s32 @!p0 $0x100000, s0  }
0x373: {  	[sflag:s0] =	ssyncadd.tile.s32 @!p0 $0x1;
	_ =	shalt  }
.Lfunc_end2:
_tile_overlayer_lowered:
.L_overlay_start_2:
0x374: {  	(tag) =	ssettag $0x2  }
0x375: {  	s0 =	rddreg [dreg:$0x0];
	s2 =	stileid.u32  }
0x376: {  	s1 =	rddreg [dreg:$0x1];
	p0 =	sne.s32 s2, $0x0  }
0x377: {  	s3 =	rddreg [dreg:$0x2];
	[bflag:$0x3] =	sbarrier.arrive $0xFFFF;
	s2 =	simm.s32 @!p0 $0x1C07  }
0x378: {  	[timem:s3], [sflag:s2] =	dma.local @!p0 [hbm:s0], s1  }
0x379: {  	s0 =	simm.s32 @!p0 $0x7  }
0x37a: {  	_ =	swait.ge @!p0 [sflag:s0], s1  }
0x37b: {  	s1 =	ssub.s32 @!p0 $0x0, s1;
	[sflag:s0] =	ssyncset.done @!p0 $0x0  }
0x37c: {  	[sflag:s0] =	ssyncadd.s32 @!p0 s1  }
0x37d: {  	[bflag:$0x3] =	sbarrier.arrive $0xFFFF  }
0x37e: {  	_ =	shalt  }

</sc_bundles>
